<compile_context>
chip_gen: v7x
topology: tpu7x:2x2x1
jax: 0.10.2.dev20260603
libtpu: 0.0.44.dev20260713+nightly
codegen_flags: <defaults>
</compile_context>

<pallas_src>
import functools

import jax
import jax.numpy as jnp
from jax import lax
from jax.experimental import pallas as pl
from jax.experimental.pallas import tpu as pltpu
from jax.experimental.pallas import tpu_sc as plsc

HIDDEN = 128
EPS = 1e-5
LANES = 16
CHUNK = 128
ROWB = 1000
NZBLK = 2


def _tc_norm_body(nblk, tab, g, b, out):
    i = pl.program_id(0)
    x = tab[...]
    mean = jnp.mean(x, axis=1, keepdims=True)
    xc = x - mean
    var = jnp.mean(xc * xc, axis=1, keepdims=True)
    y = xc * lax.rsqrt(var + EPS) * g[...] + b[...]
    out[...] = jnp.where(i >= nblk - NZBLK, 0.0, y)


def _sc_body(table, ids, mask, out,
             idx_v, m_v, b0, b1, b2, b3,
             gs0, gs1, gs2, gs3, ws0, ws1, ws2, ws3):
    info = plsc.get_sparse_core_info()
    nc = info.num_cores
    wid = lax.axis_index("s") * nc + lax.axis_index("c")
    n_tok = ids.shape[0] * ids.shape[1]
    n_per_w = n_tok // (nc * info.num_subcores)
    n_chunks = n_per_w // CHUNK
    zero_base = table.shape[0] - NZBLK * ROWB
    base = pl.multiple_of(wid * n_per_w, CHUNK)
    base_row = pl.multiple_of(wid * n_chunks, 8)

    pltpu.sync_copy(ids.at[pl.ds(base_row, n_chunks)], idx_v)
    pltpu.sync_copy(mask.at[pl.ds(base_row, n_chunks)], m_v)
    zlane = zero_base + lax.iota(jnp.int32, LANES)

    @plsc.parallel_loop(0, n_chunks)
    def _remap(r):
        roff = (r & 7) * 128
        for j in range(CHUNK // LANES):
            sl = pl.ds(LANES * j, LANES)
            z = zlane + (roff + LANES * j)
            idx_v[r, sl] = (idx_v[r, sl] - z) * m_v[r, sl] + z

    def gather(c, buf, sem):
        pltpu.async_copy(table.at[idx_v.at[c]], buf, sem)

    def gather_wait(buf, sem):
        pltpu.make_async_copy(table.at[idx_v.at[0]], buf, sem).wait()

    def writeback(c, buf, sem):
        tok0 = pl.multiple_of(base + c * CHUNK, CHUNK)
        pltpu.async_copy(buf, out.at[pl.ds(tok0, CHUNK)], sem)

    def wb_wait(buf, sem):
        pltpu.make_async_copy(buf, out.at[pl.ds(0, CHUNK)], sem).wait()

    bufs = (b0, b1, b2, b3)
    gsems = (gs0, gs1, gs2, gs3)
    wsems = (ws0, ws1, ws2, ws3)

    gather(0, bufs[0], gsems[0])
    gather(1, bufs[1], gsems[1])
    gather(2, bufs[2], gsems[2])

    def quad_body(j, _):
        for t in range(4):
            c = 4 * j + t
            gather_wait(bufs[t], gsems[t])
            writeback(c, bufs[t], wsems[t])
            t2 = (t + 3) % 4
            c2 = c + 3

            def prefetch(t2=t2, c2=c2):
                pl.when(c2 >= 4)(
                    functools.partial(wb_wait, bufs[t2], wsems[t2]))
                gather(c2, bufs[t2], gsems[t2])

            pl.when(c2 < n_chunks)(prefetch)
        return 0

    lax.fori_loop(0, n_chunks // 4, quad_body, 0)
    for t in range(4):
        wb_wait(bufs[t], wsems[t])


@jax.jit
def _run(emb_table, ln_gamma, ln_beta, ids_2d, mask_2d):
    n = ids_2d.shape[0] * ids_2d.shape[1]
    vocab = emb_table.shape[0]
    nblk = vocab // ROWB + NZBLK

    norm_table = pl.pallas_call(
        functools.partial(_tc_norm_body, nblk),
        grid=(nblk,),
        in_specs=[
            pl.BlockSpec((ROWB, HIDDEN),
                         lambda i: (jnp.minimum(i, nblk - NZBLK - 1), 0)),
            pl.BlockSpec((1, HIDDEN), lambda i: (0, 0)),
            pl.BlockSpec((1, HIDDEN), lambda i: (0, 0)),
        ],
        out_specs=pl.BlockSpec((ROWB, HIDDEN), lambda i: (i, 0)),
        out_shape=jax.ShapeDtypeStruct((nblk * ROWB, HIDDEN), jnp.float32),
    )(emb_table, ln_gamma.reshape(1, HIDDEN), ln_beta.reshape(1, HIDDEN))

    mesh = plsc.VectorSubcoreMesh(core_axis_name="c", subcore_axis_name="s")
    info = plsc.get_sparse_core_info()
    n_per_w = n // (info.num_cores * info.num_subcores)
    k = pl.kernel(
        _sc_body,
        out_type=jax.ShapeDtypeStruct((n, HIDDEN), jnp.float32),
        mesh=mesh,
        compiler_params=pltpu.CompilerParams(needs_layout_passes=False),
        scratch_types=[
            pltpu.VMEM((n_per_w // CHUNK, CHUNK), jnp.int32),
            pltpu.VMEM((n_per_w // CHUNK, CHUNK), jnp.int32),
            pltpu.VMEM((CHUNK, HIDDEN), jnp.float32),
            pltpu.VMEM((CHUNK, HIDDEN), jnp.float32),
            pltpu.VMEM((CHUNK, HIDDEN), jnp.float32),
            pltpu.VMEM((CHUNK, HIDDEN), jnp.float32),
        ] + [pltpu.SemaphoreType.DMA] * 8,
    )
    return k(norm_table, ids_2d, mask_2d)


def kernel(emb_table, ln_gamma, ln_beta, input_ids, attention_mask):
    b, l = input_ids.shape
    ids_2d = input_ids.reshape(b * l // CHUNK, CHUNK)
    mask_2d = attention_mask.reshape(b * l // CHUNK, CHUNK)
    out = _run(emb_table, ln_gamma, ln_beta, ids_2d, mask_2d)
    return out.reshape(b, l, HIDDEN)

# --- scband reference (transcript-rebuilt; emitter-appended) ---
"""Pipeline reference for scband-trans-tab-tokenizer-encoder-6519760355847 (READ-ONLY COPY).

The authoritative reference and input builder live on the scoring server;
editing this copy changes nothing except your own understanding.
"""

import jax, jax.numpy as jnp
import numpy as np

VOCAB = 100000
HIDDEN = 128
B = 4096
L = 200
EPS = 1e-5
PAD_IDX = 0


def setup_inputs(seed: int = 0) -> dict:
    key = jax.random.key(seed)
    k1, k2, k3 = jax.random.split(key, 3)
    input_ids = jax.random.randint(k1, (B, L), 0, VOCAB, dtype=jnp.int64 if jax.config.jax_enable_x64 else jnp.int32).astype(jnp.int32)
    attention_mask = jax.random.randint(k2, (B, L), 0, 2, dtype=jnp.int32)
    # learned params: embedding table (row 0 is padding_idx -> zeros, like nn.Embedding padding_idx)
    emb_table = jax.random.normal(k3, (VOCAB, HIDDEN), dtype=jnp.float32)
    emb_table = emb_table.at[PAD_IDX].set(0.0)
    ln_gamma = jnp.ones((HIDDEN,), dtype=jnp.float32)
    ln_beta = jnp.zeros((HIDDEN,), dtype=jnp.float32)
    return {
        "emb_table": emb_table,
        "ln_gamma": ln_gamma,
        "ln_beta": ln_beta,
        "input_ids": input_ids,
        "attention_mask": attention_mask,
    }


def reference(emb_table, ln_gamma, ln_beta, input_ids, attention_mask):
    # nn.Embedding lookup (SparseCore gather)
    emb = jnp.take(emb_table, input_ids, axis=0)  # [B, L, H]
    # nn.LayerNorm over last dim, eps=1e-5
    mean = jnp.mean(emb, axis=-1, keepdims=True)
    var = jnp.mean(jnp.square(emb - mean), axis=-1, keepdims=True)
    normed = (emb - mean) / jnp.sqrt(var + EPS)
    token_embeddings = normed * ln_gamma + ln_beta
    # Dropout(p=0.0) is identity
    # mask expansion: tile attention_mask to [B, L, H] and multiply
    input_mask_expanded = jnp.tile(attention_mask[:, :, None], (1, 1, HIDDEN)).astype(token_embeddings.dtype)
    return token_embeddings * input_mask_expanded


if False:  # reference __main__ guard neutralized (emitter)
    out = reference(**setup_inputs())
    print(out.shape, out.dtype)

if __name__ == "__main__":
    import jax
    _d = setup_inputs()
    print(jax.jit(kernel)(*tuple(_d.values())))

</pallas_src>

<mosaic_0001>
#map = affine_map<(d0, d1) -> (0, 0)>
module attributes {stable_mosaic.version = 14 : i64} {
  func.func @_sc_body(%arg0: i32, %arg1: i32, %arg2: memref<102000x128xf32, #tpu.memory_space<hbm>>, %arg3: memref<6400x128xi32, #tpu.memory_space<hbm>>, %arg4: memref<6400x128xi32, #tpu.memory_space<hbm>>, %arg5: memref<819200x128xf32, #tpu.memory_space<hbm>>, %arg6: memref<200x128xi32, #tpu.memory_space<vmem>>, %arg7: memref<200x128xi32, #tpu.memory_space<vmem>>, %arg8: memref<128x128xf32, #tpu.memory_space<vmem>>, %arg9: memref<128x128xf32, #tpu.memory_space<vmem>>, %arg10: memref<128x128xf32, #tpu.memory_space<vmem>>, %arg11: memref<128x128xf32, #tpu.memory_space<vmem>>, %arg12: memref<!tpu.dma_semaphore, #tpu.memory_space<semaphore_mem>>, %arg13: memref<!tpu.dma_semaphore, #tpu.memory_space<semaphore_mem>>, %arg14: memref<!tpu.dma_semaphore, #tpu.memory_space<semaphore_mem>>, %arg15: memref<!tpu.dma_semaphore, #tpu.memory_space<semaphore_mem>>, %arg16: memref<!tpu.dma_semaphore, #tpu.memory_space<semaphore_mem>>, %arg17: memref<!tpu.dma_semaphore, #tpu.memory_space<semaphore_mem>>, %arg18: memref<!tpu.dma_semaphore, #tpu.memory_space<semaphore_mem>>, %arg19: memref<!tpu.dma_semaphore, #tpu.memory_space<semaphore_mem>>) attributes {dimension_semantics = [#tpu.dimension_semantics<core_parallel>, #tpu.dimension_semantics<subcore_parallel>], iteration_bounds = array<i64: 2, 16>, scalar_prefetch = 0 : i64, scratch_operands = 14 : i64, tpu.core_type = #tpu.core_type<sc_vector_subcore>, window_params = [{transform_indices = #map}, {transform_indices = #map}, {transform_indices = #map}, {transform_indices = #map}]} {
    %mul3A = arith.constant 2 : i32
    %mul3A_0 = arith.muli %arg1, %mul3A : i32
    %add3A = arith.addi %mul3A_0, %arg0 : i32
    %mul3A_1 = arith.constant 25600 : i32
    %mul3A_2 = arith.muli %add3A, %mul3A_1 : i32
    %multiple_of3A = tpu.assume_multiple %mul3A_2, 128 : i32
    %mul3A_3 = arith.constant 200 : i32
    %mul3A_4 = arith.muli %add3A, %mul3A_3 : i32
    %multiple_of3A_5 = tpu.assume_multiple %mul3A_4, 8 : i32
    "tpu.region"() ({
      %run_scoped3A = tpu.sem_alloc : memref<!tpu.dma_semaphore, #tpu.memory_space<semaphore_mem>>
      %dma_start3A_60 = arith.constant 0 : i32
      %dma_start3A_61 = tpu.memref_slice %arg3[%multiple_of3A_5, %dma_start3A_60] : memref<6400x128xi32, #tpu.memory_space<hbm>> -> memref<200x128xi32, #tpu.memory_space<hbm>>
      %dma_start3A_62 = arith.constant 0 : i32
      %dma_start3A_63 = tpu.memref_slice %arg3[%multiple_of3A_5, %dma_start3A_62] : memref<6400x128xi32, #tpu.memory_space<hbm>> -> memref<200x128xi32, #tpu.memory_space<hbm>>
      tpu.enqueue_dma source(%dma_start3A_63 : memref<200x128xi32, #tpu.memory_space<hbm>>) target(%arg6 : memref<200x128xi32, #tpu.memory_space<vmem>>) target_semaphore(%run_scoped3A : memref<!tpu.dma_semaphore, #tpu.memory_space<semaphore_mem>>)
      %dma_wait3A_64 = arith.constant 0 : i32
      %dma_wait3A_65 = tpu.memref_slice %arg3[%multiple_of3A_5, %dma_wait3A_64] : memref<6400x128xi32, #tpu.memory_space<hbm>> -> memref<200x128xi32, #tpu.memory_space<hbm>>
      %dma_wait3A_66 = arith.constant 0 : i32
      %dma_wait3A_67 = tpu.memref_slice %arg3[%multiple_of3A_5, %dma_wait3A_66] : memref<6400x128xi32, #tpu.memory_space<hbm>> -> memref<200x128xi32, #tpu.memory_space<hbm>>
      tpu.wait_dma2 semaphore(%run_scoped3A : memref<!tpu.dma_semaphore, #tpu.memory_space<semaphore_mem>>) src(%dma_wait3A_67 : memref<200x128xi32, #tpu.memory_space<hbm>>) dst(%arg6 : memref<200x128xi32, #tpu.memory_space<vmem>>)
      tpu.yield
    }) : () -> ()
    "tpu.region"() ({
      %run_scoped3A = tpu.sem_alloc : memref<!tpu.dma_semaphore, #tpu.memory_space<semaphore_mem>>
      %dma_start3A_60 = arith.constant 0 : i32
      %dma_start3A_61 = tpu.memref_slice %arg4[%multiple_of3A_5, %dma_start3A_60] : memref<6400x128xi32, #tpu.memory_space<hbm>> -> memref<200x128xi32, #tpu.memory_space<hbm>>
      %dma_start3A_62 = arith.constant 0 : i32
      %dma_start3A_63 = tpu.memref_slice %arg4[%multiple_of3A_5, %dma_start3A_62] : memref<6400x128xi32, #tpu.memory_space<hbm>> -> memref<200x128xi32, #tpu.memory_space<hbm>>
      tpu.enqueue_dma source(%dma_start3A_63 : memref<200x128xi32, #tpu.memory_space<hbm>>) target(%arg7 : memref<200x128xi32, #tpu.memory_space<vmem>>) target_semaphore(%run_scoped3A : memref<!tpu.dma_semaphore, #tpu.memory_space<semaphore_mem>>)
      %dma_wait3A_64 = arith.constant 0 : i32
      %dma_wait3A_65 = tpu.memref_slice %arg4[%multiple_of3A_5, %dma_wait3A_64] : memref<6400x128xi32, #tpu.memory_space<hbm>> -> memref<200x128xi32, #tpu.memory_space<hbm>>
      %dma_wait3A_66 = arith.constant 0 : i32
      %dma_wait3A_67 = tpu.memref_slice %arg4[%multiple_of3A_5, %dma_wait3A_66] : memref<6400x128xi32, #tpu.memory_space<hbm>> -> memref<200x128xi32, #tpu.memory_space<hbm>>
      tpu.wait_dma2 semaphore(%run_scoped3A : memref<!tpu.dma_semaphore, #tpu.memory_space<semaphore_mem>>) src(%dma_wait3A_67 : memref<200x128xi32, #tpu.memory_space<hbm>>) dst(%arg7 : memref<200x128xi32, #tpu.memory_space<vmem>>)
      tpu.yield
    }) : () -> ()
    %iota3A = tpu.iota {dimensions = array<i32: 0>} : vector<16xi32>
    %add3A_6 = arith.constant 100000 : i32
    %add3A_7 = vector.broadcast %add3A_6 : i32 to vector<16xi32>
    %add3A_8 = arith.addi %add3A_7, %iota3A : vector<16xi32>
    %parallel_loop3A = arith.constant 0 : i32
    %parallel_loop3A_9 = arith.constant 200 : i32
    %parallel_loop3A_10 = arith.constant 1 : i32
    scf.for %parallel_loop3A_60 = %parallel_loop3A to %parallel_loop3A_9 step %parallel_loop3A_10  : i32 {
      %parallel_loop3A_61 = arith.constant 7 : i32
      %parallel_loop3A_62 = arith.andi %parallel_loop3A_60, %parallel_loop3A_61 : i32
      %parallel_loop3A_63 = arith.constant 128 : i32
      %parallel_loop3A_64 = arith.muli %parallel_loop3A_62, %parallel_loop3A_63 : i32
      %parallel_loop3A_65 = arith.constant 0 : i32
      %parallel_loop3A_66 = arith.addi %parallel_loop3A_64, %parallel_loop3A_65 : i32
      %parallel_loop3A_67 = vector.broadcast %parallel_loop3A_66 : i32 to vector<16xi32>
      %parallel_loop3A_68 = arith.addi %add3A_8, %parallel_loop3A_67 : vector<16xi32>
      %parallel_loop3A_69 = arith.index_cast %parallel_loop3A_60 : i32 to index
      %parallel_loop3A_70 = arith.constant 0 : index
      %parallel_loop3A_71 = tpu.vector_load %arg6[%parallel_loop3A_69, %parallel_loop3A_70] {strides = array<i32>} : memref<200x128xi32, #tpu.memory_space<vmem>>, vector<16xi32>,
      %parallel_loop3A_72 = arith.subi %parallel_loop3A_71, %parallel_loop3A_68 : vector<16xi32>
      %parallel_loop3A_73 = arith.index_cast %parallel_loop3A_60 : i32 to index
      %parallel_loop3A_74 = arith.constant 0 : index
      %parallel_loop3A_75 = tpu.vector_load %arg7[%parallel_loop3A_73, %parallel_loop3A_74] {strides = array<i32>} : memref<200x128xi32, #tpu.memory_space<vmem>>, vector<16xi32>,
      %parallel_loop3A_76 = arith.muli %parallel_loop3A_72, %parallel_loop3A_75 : vector<16xi32>
      %parallel_loop3A_77 = arith.addi %parallel_loop3A_76, %parallel_loop3A_68 : vector<16xi32>
      %parallel_loop3A_78 = arith.index_cast %parallel_loop3A_60 : i32 to index
      %parallel_loop3A_79 = arith.constant 0 : index
      %parallel_loop3A_80 = tpu.vector_load %arg6[%parallel_loop3A_78, %parallel_loop3A_79] {strides = array<i32>} : memref<200x128xi32, #tpu.memory_space<vmem>>, vector<16xi32>,
      tpu.vector_store %arg6[%parallel_loop3A_78, %parallel_loop3A_79], %parallel_loop3A_77 {strides = array<i32>} : memref<200x128xi32, #tpu.memory_space<vmem>>, vector<16xi32>,
      %parallel_loop3A_81 = arith.constant 16 : i32
      %parallel_loop3A_82 = arith.addi %parallel_loop3A_64, %parallel_loop3A_81 : i32
      %parallel_loop3A_83 = vector.broadcast %parallel_loop3A_82 : i32 to vector<16xi32>
      %parallel_loop3A_84 = arith.addi %add3A_8, %parallel_loop3A_83 : vector<16xi32>
      %parallel_loop3A_85 = arith.index_cast %parallel_loop3A_60 : i32 to index
      %parallel_loop3A_86 = arith.constant 16 : index
      %parallel_loop3A_87 = tpu.vector_load %arg6[%parallel_loop3A_85, %parallel_loop3A_86] {strides = array<i32>} : memref<200x128xi32, #tpu.memory_space<vmem>>, vector<16xi32>,
      %parallel_loop3A_88 = arith.subi %parallel_loop3A_87, %parallel_loop3A_84 : vector<16xi32>
      %parallel_loop3A_89 = arith.index_cast %parallel_loop3A_60 : i32 to index
      %parallel_loop3A_90 = arith.constant 16 : index
      %parallel_loop3A_91 = tpu.vector_load %arg7[%parallel_loop3A_89, %parallel_loop3A_90] {strides = array<i32>} : memref<200x128xi32, #tpu.memory_space<vmem>>, vector<16xi32>,
      %parallel_loop3A_92 = arith.muli %parallel_loop3A_88, %parallel_loop3A_91 : vector<16xi32>
      %parallel_loop3A_93 = arith.addi %parallel_loop3A_92, %parallel_loop3A_84 : vector<16xi32>
      %parallel_loop3A_94 = arith.index_cast %parallel_loop3A_60 : i32 to index
      %parallel_loop3A_95 = arith.constant 16 : index
      %parallel_loop3A_96 = tpu.vector_load %arg6[%parallel_loop3A_94, %parallel_loop3A_95] {strides = array<i32>} : memref<200x128xi32, #tpu.memory_space<vmem>>, vector<16xi32>,
      tpu.vector_store %arg6[%parallel_loop3A_94, %parallel_loop3A_95], %parallel_loop3A_93 {strides = array<i32>} : memref<200x128xi32, #tpu.memory_space<vmem>>, vector<16xi32>,
      %parallel_loop3A_97 = arith.constant 32 : i32
      %parallel_loop3A_98 = arith.addi %parallel_loop3A_64, %parallel_loop3A_97 : i32
      %parallel_loop3A_99 = vector.broadcast %parallel_loop3A_98 : i32 to vector<16xi32>
      %parallel_loop3A_100 = arith.addi %add3A_8, %parallel_loop3A_99 : vector<16xi32>
      %parallel_loop3A_101 = arith.index_cast %parallel_loop3A_60 : i32 to index
      %parallel_loop3A_102 = arith.constant 32 : index
      %parallel_loop3A_103 = tpu.vector_load %arg6[%parallel_loop3A_101, %parallel_loop3A_102] {strides = array<i32>} : memref<200x128xi32, #tpu.memory_space<vmem>>, vector<16xi32>,
      %parallel_loop3A_104 = arith.subi %parallel_loop3A_103, %parallel_loop3A_100 : vector<16xi32>
      %parallel_loop3A_105 = arith.index_cast %parallel_loop3A_60 : i32 to index
      %parallel_loop3A_106 = arith.constant 32 : index
      %parallel_loop3A_107 = tpu.vector_load %arg7[%parallel_loop3A_105, %parallel_loop3A_106] {strides = array<i32>} : memref<200x128xi32, #tpu.memory_space<vmem>>, vector<16xi32>,
      %parallel_loop3A_108 = arith.muli %parallel_loop3A_104, %parallel_loop3A_107 : vector<16xi32>
      %parallel_loop3A_109 = arith.addi %parallel_loop3A_108, %parallel_loop3A_100 : vector<16xi32>
      %parallel_loop3A_110 = arith.index_cast %parallel_loop3A_60 : i32 to index
      %parallel_loop3A_111 = arith.constant 32 : index
      %parallel_loop3A_112 = tpu.vector_load %arg6[%parallel_loop3A_110, %parallel_loop3A_111] {strides = array<i32>} : memref<200x128xi32, #tpu.memory_space<vmem>>, vector<16xi32>,
      tpu.vector_store %arg6[%parallel_loop3A_110, %parallel_loop3A_111], %parallel_loop3A_109 {strides = array<i32>} : memref<200x128xi32, #tpu.memory_space<vmem>>, vector<16xi32>,
      %parallel_loop3A_113 = arith.constant 48 : i32
      %parallel_loop3A_114 = arith.addi %parallel_loop3A_64, %parallel_loop3A_113 : i32
      %parallel_loop3A_115 = vector.broadcast %parallel_loop3A_114 : i32 to vector<16xi32>
      %parallel_loop3A_116 = arith.addi %add3A_8, %parallel_loop3A_115 : vector<16xi32>
      %parallel_loop3A_117 = arith.index_cast %parallel_loop3A_60 : i32 to index
      %parallel_loop3A_118 = arith.constant 48 : index
      %parallel_loop3A_119 = tpu.vector_load %arg6[%parallel_loop3A_117, %parallel_loop3A_118] {strides = array<i32>} : memref<200x128xi32, #tpu.memory_space<vmem>>, vector<16xi32>,
      %parallel_loop3A_120 = arith.subi %parallel_loop3A_119, %parallel_loop3A_116 : vector<16xi32>
      %parallel_loop3A_121 = arith.index_cast %parallel_loop3A_60 : i32 to index
      %parallel_loop3A_122 = arith.constant 48 : index
      %parallel_loop3A_123 = tpu.vector_load %arg7[%parallel_loop3A_121, %parallel_loop3A_122] {strides = array<i32>} : memref<200x128xi32, #tpu.memory_space<vmem>>, vector<16xi32>,
      %parallel_loop3A_124 = arith.muli %parallel_loop3A_120, %parallel_loop3A_123 : vector<16xi32>
      %parallel_loop3A_125 = arith.addi %parallel_loop3A_124, %parallel_loop3A_116 : vector<16xi32>
      %parallel_loop3A_126 = arith.index_cast %parallel_loop3A_60 : i32 to index
      %parallel_loop3A_127 = arith.constant 48 : index
      %parallel_loop3A_128 = tpu.vector_load %arg6[%parallel_loop3A_126, %parallel_loop3A_127] {strides = array<i32>} : memref<200x128xi32, #tpu.memory_space<vmem>>, vector<16xi32>,
      tpu.vector_store %arg6[%parallel_loop3A_126, %parallel_loop3A_127], %parallel_loop3A_125 {strides = array<i32>} : memref<200x128xi32, #tpu.memory_space<vmem>>, vector<16xi32>,
      %parallel_loop3A_129 = arith.constant 64 : i32
      %parallel_loop3A_130 = arith.addi %parallel_loop3A_64, %parallel_loop3A_129 : i32
      %parallel_loop3A_131 = vector.broadcast %parallel_loop3A_130 : i32 to vector<16xi32>
      %parallel_loop3A_132 = arith.addi %add3A_8, %parallel_loop3A_131 : vector<16xi32>
      %parallel_loop3A_133 = arith.index_cast %parallel_loop3A_60 : i32 to index
      %parallel_loop3A_134 = arith.constant 64 : index
      %parallel_loop3A_135 = tpu.vector_load %arg6[%parallel_loop3A_133, %parallel_loop3A_134] {strides = array<i32>} : memref<200x128xi32, #tpu.memory_space<vmem>>, vector<16xi32>,
      %parallel_loop3A_136 = arith.subi %parallel_loop3A_135, %parallel_loop3A_132 : vector<16xi32>
      %parallel_loop3A_137 = arith.index_cast %parallel_loop3A_60 : i32 to index
      %parallel_loop3A_138 = arith.constant 64 : index
      %parallel_loop3A_139 = tpu.vector_load %arg7[%parallel_loop3A_137, %parallel_loop3A_138] {strides = array<i32>} : memref<200x128xi32, #tpu.memory_space<vmem>>, vector<16xi32>,
      %parallel_loop3A_140 = arith.muli %parallel_loop3A_136, %parallel_loop3A_139 : vector<16xi32>
      %parallel_loop3A_141 = arith.addi %parallel_loop3A_140, %parallel_loop3A_132 : vector<16xi32>
      %parallel_loop3A_142 = arith.index_cast %parallel_loop3A_60 : i32 to index
      %parallel_loop3A_143 = arith.constant 64 : index
      %parallel_loop3A_144 = tpu.vector_load %arg6[%parallel_loop3A_142, %parallel_loop3A_143] {strides = array<i32>} : memref<200x128xi32, #tpu.memory_space<vmem>>, vector<16xi32>,
      tpu.vector_store %arg6[%parallel_loop3A_142, %parallel_loop3A_143], %parallel_loop3A_141 {strides = array<i32>} : memref<200x128xi32, #tpu.memory_space<vmem>>, vector<16xi32>,
      %parallel_loop3A_145 = arith.constant 80 : i32
      %parallel_loop3A_146 = arith.addi %parallel_loop3A_64, %parallel_loop3A_145 : i32
      %parallel_loop3A_147 = vector.broadcast %parallel_loop3A_146 : i32 to vector<16xi32>
      %parallel_loop3A_148 = arith.addi %add3A_8, %parallel_loop3A_147 : vector<16xi32>
      %parallel_loop3A_149 = arith.index_cast %parallel_loop3A_60 : i32 to index
      %parallel_loop3A_150 = arith.constant 80 : index
      %parallel_loop3A_151 = tpu.vector_load %arg6[%parallel_loop3A_149, %parallel_loop3A_150] {strides = array<i32>} : memref<200x128xi32, #tpu.memory_space<vmem>>, vector<16xi32>,
      %parallel_loop3A_152 = arith.subi %parallel_loop3A_151, %parallel_loop3A_148 : vector<16xi32>
      %parallel_loop3A_153 = arith.index_cast %parallel_loop3A_60 : i32 to index
      %parallel_loop3A_154 = arith.constant 80 : index
      %parallel_loop3A_155 = tpu.vector_load %arg7[%parallel_loop3A_153, %parallel_loop3A_154] {strides = array<i32>} : memref<200x128xi32, #tpu.memory_space<vmem>>, vector<16xi32>,
      %parallel_loop3A_156 = arith.muli %parallel_loop3A_152, %parallel_loop3A_155 : vector<16xi32>
      %parallel_loop3A_157 = arith.addi %parallel_loop3A_156, %parallel_loop3A_148 : vector<16xi32>
      %parallel_loop3A_158 = arith.index_cast %parallel_loop3A_60 : i32 to index
      %parallel_loop3A_159 = arith.constant 80 : index
      %parallel_loop3A_160 = tpu.vector_load %arg6[%parallel_loop3A_158, %parallel_loop3A_159] {strides = array<i32>} : memref<200x128xi32, #tpu.memory_space<vmem>>, vector<16xi32>,
      tpu.vector_store %arg6[%parallel_loop3A_158, %parallel_loop3A_159], %parallel_loop3A_157 {strides = array<i32>} : memref<200x128xi32, #tpu.memory_space<vmem>>, vector<16xi32>,
      %parallel_loop3A_161 = arith.constant 96 : i32
      %parallel_loop3A_162 = arith.addi %parallel_loop3A_64, %parallel_loop3A_161 : i32
      %parallel_loop3A_163 = vector.broadcast %parallel_loop3A_162 : i32 to vector<16xi32>
      %parallel_loop3A_164 = arith.addi %add3A_8, %parallel_loop3A_163 : vector<16xi32>
      %parallel_loop3A_165 = arith.index_cast %parallel_loop3A_60 : i32 to index
      %parallel_loop3A_166 = arith.constant 96 : index
      %parallel_loop3A_167 = tpu.vector_load %arg6[%parallel_loop3A_165, %parallel_loop3A_166] {strides = array<i32>} : memref<200x128xi32, #tpu.memory_space<vmem>>, vector<16xi32>,
      %parallel_loop3A_168 = arith.subi %parallel_loop3A_167, %parallel_loop3A_164 : vector<16xi32>
      %parallel_loop3A_169 = arith.index_cast %parallel_loop3A_60 : i32 to index
      %parallel_loop3A_170 = arith.constant 96 : index
      %parallel_loop3A_171 = tpu.vector_load %arg7[%parallel_loop3A_169, %parallel_loop3A_170] {strides = array<i32>} : memref<200x128xi32, #tpu.memory_space<vmem>>, vector<16xi32>,
      %parallel_loop3A_172 = arith.muli %parallel_loop3A_168, %parallel_loop3A_171 : vector<16xi32>
      %parallel_loop3A_173 = arith.addi %parallel_loop3A_172, %parallel_loop3A_164 : vector<16xi32>
      %parallel_loop3A_174 = arith.index_cast %parallel_loop3A_60 : i32 to index
      %parallel_loop3A_175 = arith.constant 96 : index
      %parallel_loop3A_176 = tpu.vector_load %arg6[%parallel_loop3A_174, %parallel_loop3A_175] {strides = array<i32>} : memref<200x128xi32, #tpu.memory_space<vmem>>, vector<16xi32>,
      tpu.vector_store %arg6[%parallel_loop3A_174, %parallel_loop3A_175], %parallel_loop3A_173 {strides = array<i32>} : memref<200x128xi32, #tpu.memory_space<vmem>>, vector<16xi32>,
      %parallel_loop3A_177 = arith.constant 112 : i32
      %parallel_loop3A_178 = arith.addi %parallel_loop3A_64, %parallel_loop3A_177 : i32
      %parallel_loop3A_179 = vector.broadcast %parallel_loop3A_178 : i32 to vector<16xi32>
      %parallel_loop3A_180 = arith.addi %add3A_8, %parallel_loop3A_179 : vector<16xi32>
      %parallel_loop3A_181 = arith.index_cast %parallel_loop3A_60 : i32 to index
      %parallel_loop3A_182 = arith.constant 112 : index
      %parallel_loop3A_183 = tpu.vector_load %arg6[%parallel_loop3A_181, %parallel_loop3A_182] {strides = array<i32>} : memref<200x128xi32, #tpu.memory_space<vmem>>, vector<16xi32>,
      %parallel_loop3A_184 = arith.subi %parallel_loop3A_183, %parallel_loop3A_180 : vector<16xi32>
      %parallel_loop3A_185 = arith.index_cast %parallel_loop3A_60 : i32 to index
      %parallel_loop3A_186 = arith.constant 112 : index
      %parallel_loop3A_187 = tpu.vector_load %arg7[%parallel_loop3A_185, %parallel_loop3A_186] {strides = array<i32>} : memref<200x128xi32, #tpu.memory_space<vmem>>, vector<16xi32>,
      %parallel_loop3A_188 = arith.muli %parallel_loop3A_184, %parallel_loop3A_187 : vector<16xi32>
      %parallel_loop3A_189 = arith.addi %parallel_loop3A_188, %parallel_loop3A_180 : vector<16xi32>
      %parallel_loop3A_190 = arith.index_cast %parallel_loop3A_60 : i32 to index
      %parallel_loop3A_191 = arith.constant 112 : index
      %parallel_loop3A_192 = tpu.vector_load %arg6[%parallel_loop3A_190, %parallel_loop3A_191] {strides = array<i32>} : memref<200x128xi32, #tpu.memory_space<vmem>>, vector<16xi32>,
      tpu.vector_store %arg6[%parallel_loop3A_190, %parallel_loop3A_191], %parallel_loop3A_189 {strides = array<i32>} : memref<200x128xi32, #tpu.memory_space<vmem>>, vector<16xi32>,
    } {sc.loop_unroll_factor = 1 : i64, sc.parallel_access}
    %dma_start3A = arith.constant 0 : i32
    %dma_start3A_11 = arith.constant 0 : i32
    %dma_start3A_12 = tpu.memref_slice %arg6[%dma_start3A, %dma_start3A_11] : memref<200x128xi32, #tpu.memory_space<vmem>> -> memref<1x128xi32, #tpu.memory_space<vmem>>
    %dma_start3A_13 = tpu.memref_squeeze %dma_start3A_12 : memref<1x128xi32, #tpu.memory_space<vmem>> -> memref<128xi32, #tpu.memory_space<vmem>>
    %dma_start3A_14 = arith.constant 0 : i32
    %dma_start3A_15 = arith.constant 0 : i32
    %dma_start3A_16 = tpu.memref_slice %arg2[%dma_start3A_14, %dma_start3A_15] : memref<102000x128xf32, #tpu.memory_space<hbm>> -> memref<102000x128xf32, #tpu.memory_space<hbm>>
    tpu.enqueue_indirect_dma source(%dma_start3A_16 : memref<102000x128xf32, #tpu.memory_space<hbm>>) target(%arg8 : memref<128x128xf32, #tpu.memory_space<vmem>>) offsets(%dma_start3A_13 : memref<128xi32, #tpu.memory_space<vmem>>) semaphore(%arg12 : memref<!tpu.dma_semaphore, #tpu.memory_space<semaphore_mem>>)
    %dma_start3A_17 = arith.constant 1 : i32
    %dma_start3A_18 = arith.constant 0 : i32
    %dma_start3A_19 = tpu.memref_slice %arg6[%dma_start3A_17, %dma_start3A_18] : memref<200x128xi32, #tpu.memory_space<vmem>> -> memref<1x128xi32, #tpu.memory_space<vmem>>
    %dma_start3A_20 = tpu.memref_squeeze %dma_start3A_19 : memref<1x128xi32, #tpu.memory_space<vmem>> -> memref<128xi32, #tpu.memory_space<vmem>>
    %dma_start3A_21 = arith.constant 0 : i32
    %dma_start3A_22 = arith.constant 0 : i32
    %dma_start3A_23 = tpu.memref_slice %arg2[%dma_start3A_21, %dma_start3A_22] : memref<102000x128xf32, #tpu.memory_space<hbm>> -> memref<102000x128xf32, #tpu.memory_space<hbm>>
    tpu.enqueue_indirect_dma source(%dma_start3A_23 : memref<102000x128xf32, #tpu.memory_space<hbm>>) target(%arg9 : memref<128x128xf32, #tpu.memory_space<vmem>>) offsets(%dma_start3A_20 : memref<128xi32, #tpu.memory_space<vmem>>) semaphore(%arg13 : memref<!tpu.dma_semaphore, #tpu.memory_space<semaphore_mem>>)
    %dma_start3A_24 = arith.constant 2 : i32
    %dma_start3A_25 = arith.constant 0 : i32
    %dma_start3A_26 = tpu.memref_slice %arg6[%dma_start3A_24, %dma_start3A_25] : memref<200x128xi32, #tpu.memory_space<vmem>> -> memref<1x128xi32, #tpu.memory_space<vmem>>
    %dma_start3A_27 = tpu.memref_squeeze %dma_start3A_26 : memref<1x128xi32, #tpu.memory_space<vmem>> -> memref<128xi32, #tpu.memory_space<vmem>>
    %dma_start3A_28 = arith.constant 0 : i32
    %dma_start3A_29 = arith.constant 0 : i32
    %dma_start3A_30 = tpu.memref_slice %arg2[%dma_start3A_28, %dma_start3A_29] : memref<102000x128xf32, #tpu.memory_space<hbm>> -> memref<102000x128xf32, #tpu.memory_space<hbm>>
    tpu.enqueue_indirect_dma source(%dma_start3A_30 : memref<102000x128xf32, #tpu.memory_space<hbm>>) target(%arg10 : memref<128x128xf32, #tpu.memory_space<vmem>>) offsets(%dma_start3A_27 : memref<128xi32, #tpu.memory_space<vmem>>) semaphore(%arg14 : memref<!tpu.dma_semaphore, #tpu.memory_space<semaphore_mem>>)
    %scan3A = arith.constant 0 : i32
    %scan3A_31 = arith.constant 0 : i32
    %scan3A_32 = arith.constant 50 : i32
    %scan3A_33 = arith.addi %scan3A_31, %scan3A_32 : i32
    %scan3A_34 = arith.constant 1 : i32
    %scan3A_35 = scf.for %scan3A_60 = %scan3A_31 to %scan3A_33 step %scan3A_34 iter_args(%scan3A_61 = %scan3A) -> (i32)  : i32 {
      %mul3A_62 = arith.constant 4 : i32
      %mul3A_63 = arith.muli %mul3A_62, %scan3A_60 : i32
      %add3A_64 = arith.constant 0 : i32
      %add3A_65 = arith.addi %mul3A_63, %add3A_64 : i32
      %dma_wait3A_66 = arith.constant 0 : i32
      %dma_wait3A_67 = arith.constant 0 : i32
      %dma_wait3A_68 = tpu.memref_slice %arg6[%dma_wait3A_66, %dma_wait3A_67] : memref<200x128xi32, #tpu.memory_space<vmem>> -> memref<1x128xi32, #tpu.memory_space<vmem>>
      %dma_wait3A_69 = tpu.memref_squeeze %dma_wait3A_68 : memref<1x128xi32, #tpu.memory_space<vmem>> -> memref<128xi32, #tpu.memory_space<vmem>>
      %dma_wait3A_70 = arith.constant 0 : i32
      %dma_wait3A_71 = arith.constant 0 : i32
      %dma_wait3A_72 = tpu.memref_slice %arg2[%dma_wait3A_70, %dma_wait3A_71] : memref<102000x128xf32, #tpu.memory_space<hbm>> -> memref<102000x128xf32, #tpu.memory_space<hbm>>
      tpu.wait_indirect_dma semaphore(%arg12 : memref<!tpu.dma_semaphore, #tpu.memory_space<semaphore_mem>>) src(%dma_wait3A_72 : memref<102000x128xf32, #tpu.memory_space<hbm>>) dst(%arg8 : memref<128x128xf32, #tpu.memory_space<vmem>>)
      %mul3A_73 = arith.constant 128 : i32
      %mul3A_74 = arith.muli %add3A_65, %mul3A_73 : i32
      %add3A_75 = arith.addi %multiple_of3A, %mul3A_74 : i32
      %multiple_of3A_76 = tpu.assume_multiple %add3A_75, 128 : i32
      %dma_start3A_77 = arith.constant 0 : i32
      %dma_start3A_78 = tpu.memref_slice %arg5[%multiple_of3A_76, %dma_start3A_77] : memref<819200x128xf32, #tpu.memory_space<hbm>> -> memref<128x128xf32, #tpu.memory_space<hbm>>
      %dma_start3A_79 = arith.constant 0 : i32
      %dma_start3A_80 = tpu.memref_slice %arg5[%multiple_of3A_76, %dma_start3A_79] : memref<819200x128xf32, #tpu.memory_space<hbm>> -> memref<128x128xf32, #tpu.memory_space<hbm>>
      tpu.enqueue_dma source(%arg8 : memref<128x128xf32, #tpu.memory_space<vmem>>) target(%dma_start3A_80 : memref<128x128xf32, #tpu.memory_space<hbm>>) target_semaphore(%arg16 : memref<!tpu.dma_semaphore, #tpu.memory_space<semaphore_mem>>)
      %add3A_81 = arith.constant 3 : i32
      %add3A_82 = arith.addi %add3A_65, %add3A_81 : i32
      %lt3A = arith.constant 200 : i32
      %lt3A_83 = arith.cmpi slt, %add3A_82, %lt3A : i32
      %convert_element_type3A = arith.extui %lt3A_83 : i1 to i32
      %cond3A = arith.constant 0 : i32
      %cond3A_84 = arith.cmpi ne, %convert_element_type3A, %cond3A : i32
      scf.if %cond3A_84 {
        %ge3A = arith.constant 4 : i32
        %ge3A_164 = arith.cmpi sge, %add3A_82, %ge3A : i32
        %convert_element_type3A_165 = arith.extui %ge3A_164 : i1 to i32
        %cond3A_166 = arith.constant 0 : i32
        %cond3A_167 = arith.cmpi ne, %convert_element_type3A_165, %cond3A_166 : i32
        scf.if %cond3A_167 {
          %dma_wait3A_174 = arith.constant 0 : i32
          %dma_wait3A_175 = arith.constant 0 : i32
          %dma_wait3A_176 = tpu.memref_slice %arg5[%dma_wait3A_174, %dma_wait3A_175] : memref<819200x128xf32, #tpu.memory_space<hbm>> -> memref<128x128xf32, #tpu.memory_space<hbm>>
          %dma_wait3A_177 = arith.constant 0 : i32
          %dma_wait3A_178 = arith.constant 0 : i32
          %dma_wait3A_179 = tpu.memref_slice %arg5[%dma_wait3A_177, %dma_wait3A_178] : memref<819200x128xf32, #tpu.memory_space<hbm>> -> memref<128x128xf32, #tpu.memory_space<hbm>>
          tpu.wait_dma2 semaphore(%arg19 : memref<!tpu.dma_semaphore, #tpu.memory_space<semaphore_mem>>) src(%arg11 : memref<128x128xf32, #tpu.memory_space<vmem>>) dst(%dma_wait3A_179 : memref<128x128xf32, #tpu.memory_space<hbm>>)
        } else {
        }
        %dma_start3A_168 = arith.constant 0 : i32
        %dma_start3A_169 = tpu.memref_slice %arg6[%add3A_82, %dma_start3A_168] : memref<200x128xi32, #tpu.memory_space<vmem>> -> memref<1x128xi32, #tpu.memory_space<vmem>>
        %dma_start3A_170 = tpu.memref_squeeze %dma_start3A_169 : memref<1x128xi32, #tpu.memory_space<vmem>> -> memref<128xi32, #tpu.memory_space<vmem>>
        %dma_start3A_171 = arith.constant 0 : i32
        %dma_start3A_172 = arith.constant 0 : i32
        %dma_start3A_173 = tpu.memref_slice %arg2[%dma_start3A_171, %dma_start3A_172] : memref<102000x128xf32, #tpu.memory_space<hbm>> -> memref<102000x128xf32, #tpu.memory_space<hbm>>
        tpu.enqueue_indirect_dma source(%dma_start3A_173 : memref<102000x128xf32, #tpu.memory_space<hbm>>) target(%arg11 : memref<128x128xf32, #tpu.memory_space<vmem>>) offsets(%dma_start3A_170 : memref<128xi32, #tpu.memory_space<vmem>>) semaphore(%arg15 : memref<!tpu.dma_semaphore, #tpu.memory_space<semaphore_mem>>)
      } else {
      }
      %mul3A_85 = arith.constant 4 : i32
      %mul3A_86 = arith.muli %mul3A_85, %scan3A_60 : i32
      %add3A_87 = arith.constant 1 : i32
      %add3A_88 = arith.addi %mul3A_86, %add3A_87 : i32
      %dma_wait3A_89 = arith.constant 0 : i32
      %dma_wait3A_90 = arith.constant 0 : i32
      %dma_wait3A_91 = tpu.memref_slice %arg6[%dma_wait3A_89, %dma_wait3A_90] : memref<200x128xi32, #tpu.memory_space<vmem>> -> memref<1x128xi32, #tpu.memory_space<vmem>>
      %dma_wait3A_92 = tpu.memref_squeeze %dma_wait3A_91 : memref<1x128xi32, #tpu.memory_space<vmem>> -> memref<128xi32, #tpu.memory_space<vmem>>
      %dma_wait3A_93 = arith.constant 0 : i32
      %dma_wait3A_94 = arith.constant 0 : i32
      %dma_wait3A_95 = tpu.memref_slice %arg2[%dma_wait3A_93, %dma_wait3A_94] : memref<102000x128xf32, #tpu.memory_space<hbm>> -> memref<102000x128xf32, #tpu.memory_space<hbm>>
      tpu.wait_indirect_dma semaphore(%arg13 : memref<!tpu.dma_semaphore, #tpu.memory_space<semaphore_mem>>) src(%dma_wait3A_95 : memref<102000x128xf32, #tpu.memory_space<hbm>>) dst(%arg9 : memref<128x128xf32, #tpu.memory_space<vmem>>)
      %mul3A_96 = arith.constant 128 : i32
      %mul3A_97 = arith.muli %add3A_88, %mul3A_96 : i32
      %add3A_98 = arith.addi %multiple_of3A, %mul3A_97 : i32
      %multiple_of3A_99 = tpu.assume_multiple %add3A_98, 128 : i32
      %dma_start3A_100 = arith.constant 0 : i32
      %dma_start3A_101 = tpu.memref_slice %arg5[%multiple_of3A_99, %dma_start3A_100] : memref<819200x128xf32, #tpu.memory_space<hbm>> -> memref<128x128xf32, #tpu.memory_space<hbm>>
      %dma_start3A_102 = arith.constant 0 : i32
      %dma_start3A_103 = tpu.memref_slice %arg5[%multiple_of3A_99, %dma_start3A_102] : memref<819200x128xf32, #tpu.memory_space<hbm>> -> memref<128x128xf32, #tpu.memory_space<hbm>>
      tpu.enqueue_dma source(%arg9 : memref<128x128xf32, #tpu.memory_space<vmem>>) target(%dma_start3A_103 : memref<128x128xf32, #tpu.memory_space<hbm>>) target_semaphore(%arg17 : memref<!tpu.dma_semaphore, #tpu.memory_space<semaphore_mem>>)
      %add3A_104 = arith.constant 3 : i32
      %add3A_105 = arith.addi %add3A_88, %add3A_104 : i32
      %lt3A_106 = arith.constant 200 : i32
      %lt3A_107 = arith.cmpi slt, %add3A_105, %lt3A_106 : i32
      %convert_element_type3A_108 = arith.extui %lt3A_107 : i1 to i32
      %cond3A_109 = arith.constant 0 : i32
      %cond3A_110 = arith.cmpi ne, %convert_element_type3A_108, %cond3A_109 : i32
      scf.if %cond3A_110 {
        %ge3A = arith.constant 4 : i32
        %ge3A_164 = arith.cmpi sge, %add3A_105, %ge3A : i32
        %convert_element_type3A_165 = arith.extui %ge3A_164 : i1 to i32
        %cond3A_166 = arith.constant 0 : i32
        %cond3A_167 = arith.cmpi ne, %convert_element_type3A_165, %cond3A_166 : i32
        scf.if %cond3A_167 {
          %dma_wait3A_174 = arith.constant 0 : i32
          %dma_wait3A_175 = arith.constant 0 : i32
          %dma_wait3A_176 = tpu.memref_slice %arg5[%dma_wait3A_174, %dma_wait3A_175] : memref<819200x128xf32, #tpu.memory_space<hbm>> -> memref<128x128xf32, #tpu.memory_space<hbm>>
          %dma_wait3A_177 = arith.constant 0 : i32
          %dma_wait3A_178 = arith.constant 0 : i32
          %dma_wait3A_179 = tpu.memref_slice %arg5[%dma_wait3A_177, %dma_wait3A_178] : memref<819200x128xf32, #tpu.memory_space<hbm>> -> memref<128x128xf32, #tpu.memory_space<hbm>>
          tpu.wait_dma2 semaphore(%arg16 : memref<!tpu.dma_semaphore, #tpu.memory_space<semaphore_mem>>) src(%arg8 : memref<128x128xf32, #tpu.memory_space<vmem>>) dst(%dma_wait3A_179 : memref<128x128xf32, #tpu.memory_space<hbm>>)
        } else {
        }
        %dma_start3A_168 = arith.constant 0 : i32
        %dma_start3A_169 = tpu.memref_slice %arg6[%add3A_105, %dma_start3A_168] : memref<200x128xi32, #tpu.memory_space<vmem>> -> memref<1x128xi32, #tpu.memory_space<vmem>>
        %dma_start3A_170 = tpu.memref_squeeze %dma_start3A_169 : memref<1x128xi32, #tpu.memory_space<vmem>> -> memref<128xi32, #tpu.memory_space<vmem>>
        %dma_start3A_171 = arith.constant 0 : i32
        %dma_start3A_172 = arith.constant 0 : i32
        %dma_start3A_173 = tpu.memref_slice %arg2[%dma_start3A_171, %dma_start3A_172] : memref<102000x128xf32, #tpu.memory_space<hbm>> -> memref<102000x128xf32, #tpu.memory_space<hbm>>
        tpu.enqueue_indirect_dma source(%dma_start3A_173 : memref<102000x128xf32, #tpu.memory_space<hbm>>) target(%arg8 : memref<128x128xf32, #tpu.memory_space<vmem>>) offsets(%dma_start3A_170 : memref<128xi32, #tpu.memory_space<vmem>>) semaphore(%arg12 : memref<!tpu.dma_semaphore, #tpu.memory_space<semaphore_mem>>)
      } else {
      }
      %mul3A_111 = arith.constant 4 : i32
      %mul3A_112 = arith.muli %mul3A_111, %scan3A_60 : i32
      %add3A_113 = arith.constant 2 : i32
      %add3A_114 = arith.addi %mul3A_112, %add3A_113 : i32
      %dma_wait3A_115 = arith.constant 0 : i32
      %dma_wait3A_116 = arith.constant 0 : i32
      %dma_wait3A_117 = tpu.memref_slice %arg6[%dma_wait3A_115, %dma_wait3A_116] : memref<200x128xi32, #tpu.memory_space<vmem>> -> memref<1x128xi32, #tpu.memory_space<vmem>>
      %dma_wait3A_118 = tpu.memref_squeeze %dma_wait3A_117 : memref<1x128xi32, #tpu.memory_space<vmem>> -> memref<128xi32, #tpu.memory_space<vmem>>
      %dma_wait3A_119 = arith.constant 0 : i32
      %dma_wait3A_120 = arith.constant 0 : i32
      %dma_wait3A_121 = tpu.memref_slice %arg2[%dma_wait3A_119, %dma_wait3A_120] : memref<102000x128xf32, #tpu.memory_space<hbm>> -> memref<102000x128xf32, #tpu.memory_space<hbm>>
      tpu.wait_indirect_dma semaphore(%arg14 : memref<!tpu.dma_semaphore, #tpu.memory_space<semaphore_mem>>) src(%dma_wait3A_121 : memref<102000x128xf32, #tpu.memory_space<hbm>>) dst(%arg10 : memref<128x128xf32, #tpu.memory_space<vmem>>)
      %mul3A_122 = arith.constant 128 : i32
      %mul3A_123 = arith.muli %add3A_114, %mul3A_122 : i32
      %add3A_124 = arith.addi %multiple_of3A, %mul3A_123 : i32
      %multiple_of3A_125 = tpu.assume_multiple %add3A_124, 128 : i32
      %dma_start3A_126 = arith.constant 0 : i32
      %dma_start3A_127 = tpu.memref_slice %arg5[%multiple_of3A_125, %dma_start3A_126] : memref<819200x128xf32, #tpu.memory_space<hbm>> -> memref<128x128xf32, #tpu.memory_space<hbm>>
      %dma_start3A_128 = arith.constant 0 : i32
      %dma_start3A_129 = tpu.memref_slice %arg5[%multiple_of3A_125, %dma_start3A_128] : memref<819200x128xf32, #tpu.memory_space<hbm>> -> memref<128x128xf32, #tpu.memory_space<hbm>>
      tpu.enqueue_dma source(%arg10 : memref<128x128xf32, #tpu.memory_space<vmem>>) target(%dma_start3A_129 : memref<128x128xf32, #tpu.memory_space<hbm>>) target_semaphore(%arg18 : memref<!tpu.dma_semaphore, #tpu.memory_space<semaphore_mem>>)
      %add3A_130 = arith.constant 3 : i32
      %add3A_131 = arith.addi %add3A_114, %add3A_130 : i32
      %lt3A_132 = arith.constant 200 : i32
      %lt3A_133 = arith.cmpi slt, %add3A_131, %lt3A_132 : i32
      %convert_element_type3A_134 = arith.extui %lt3A_133 : i1 to i32
      %cond3A_135 = arith.constant 0 : i32
      %cond3A_136 = arith.cmpi ne, %convert_element_type3A_134, %cond3A_135 : i32
      scf.if %cond3A_136 {
        %ge3A = arith.constant 4 : i32
        %ge3A_164 = arith.cmpi sge, %add3A_131, %ge3A : i32
        %convert_element_type3A_165 = arith.extui %ge3A_164 : i1 to i32
        %cond3A_166 = arith.constant 0 : i32
        %cond3A_167 = arith.cmpi ne, %convert_element_type3A_165, %cond3A_166 : i32
        scf.if %cond3A_167 {
          %dma_wait3A_174 = arith.constant 0 : i32
          %dma_wait3A_175 = arith.constant 0 : i32
          %dma_wait3A_176 = tpu.memref_slice %arg5[%dma_wait3A_174, %dma_wait3A_175] : memref<819200x128xf32, #tpu.memory_space<hbm>> -> memref<128x128xf32, #tpu.memory_space<hbm>>
          %dma_wait3A_177 = arith.constant 0 : i32
          %dma_wait3A_178 = arith.constant 0 : i32
          %dma_wait3A_179 = tpu.memref_slice %arg5[%dma_wait3A_177, %dma_wait3A_178] : memref<819200x128xf32, #tpu.memory_space<hbm>> -> memref<128x128xf32, #tpu.memory_space<hbm>>
          tpu.wait_dma2 semaphore(%arg17 : memref<!tpu.dma_semaphore, #tpu.memory_space<semaphore_mem>>) src(%arg9 : memref<128x128xf32, #tpu.memory_space<vmem>>) dst(%dma_wait3A_179 : memref<128x128xf32, #tpu.memory_space<hbm>>)
        } else {
        }
        %dma_start3A_168 = arith.constant 0 : i32
        %dma_start3A_169 = tpu.memref_slice %arg6[%add3A_131, %dma_start3A_168] : memref<200x128xi32, #tpu.memory_space<vmem>> -> memref<1x128xi32, #tpu.memory_space<vmem>>
        %dma_start3A_170 = tpu.memref_squeeze %dma_start3A_169 : memref<1x128xi32, #tpu.memory_space<vmem>> -> memref<128xi32, #tpu.memory_space<vmem>>
        %dma_start3A_171 = arith.constant 0 : i32
        %dma_start3A_172 = arith.constant 0 : i32
        %dma_start3A_173 = tpu.memref_slice %arg2[%dma_start3A_171, %dma_start3A_172] : memref<102000x128xf32, #tpu.memory_space<hbm>> -> memref<102000x128xf32, #tpu.memory_space<hbm>>
        tpu.enqueue_indirect_dma source(%dma_start3A_173 : memref<102000x128xf32, #tpu.memory_space<hbm>>) target(%arg9 : memref<128x128xf32, #tpu.memory_space<vmem>>) offsets(%dma_start3A_170 : memref<128xi32, #tpu.memory_space<vmem>>) semaphore(%arg13 : memref<!tpu.dma_semaphore, #tpu.memory_space<semaphore_mem>>)
      } else {
      }
      %mul3A_137 = arith.constant 4 : i32
      %mul3A_138 = arith.muli %mul3A_137, %scan3A_60 : i32
      %add3A_139 = arith.constant 3 : i32
      %add3A_140 = arith.addi %mul3A_138, %add3A_139 : i32
      %dma_wait3A_141 = arith.constant 0 : i32
      %dma_wait3A_142 = arith.constant 0 : i32
      %dma_wait3A_143 = tpu.memref_slice %arg6[%dma_wait3A_141, %dma_wait3A_142] : memref<200x128xi32, #tpu.memory_space<vmem>> -> memref<1x128xi32, #tpu.memory_space<vmem>>
      %dma_wait3A_144 = tpu.memref_squeeze %dma_wait3A_143 : memref<1x128xi32, #tpu.memory_space<vmem>> -> memref<128xi32, #tpu.memory_space<vmem>>
      %dma_wait3A_145 = arith.constant 0 : i32
      %dma_wait3A_146 = arith.constant 0 : i32
      %dma_wait3A_147 = tpu.memref_slice %arg2[%dma_wait3A_145, %dma_wait3A_146] : memref<102000x128xf32, #tpu.memory_space<hbm>> -> memref<102000x128xf32, #tpu.memory_space<hbm>>
      tpu.wait_indirect_dma semaphore(%arg15 : memref<!tpu.dma_semaphore, #tpu.memory_space<semaphore_mem>>) src(%dma_wait3A_147 : memref<102000x128xf32, #tpu.memory_space<hbm>>) dst(%arg11 : memref<128x128xf32, #tpu.memory_space<vmem>>)
      %mul3A_148 = arith.constant 128 : i32
      %mul3A_149 = arith.muli %add3A_140, %mul3A_148 : i32
      %add3A_150 = arith.addi %multiple_of3A, %mul3A_149 : i32
      %multiple_of3A_151 = tpu.assume_multiple %add3A_150, 128 : i32
      %dma_start3A_152 = arith.constant 0 : i32
      %dma_start3A_153 = tpu.memref_slice %arg5[%multiple_of3A_151, %dma_start3A_152] : memref<819200x128xf32, #tpu.memory_space<hbm>> -> memref<128x128xf32, #tpu.memory_space<hbm>>
      %dma_start3A_154 = arith.constant 0 : i32
      %dma_start3A_155 = tpu.memref_slice %arg5[%multiple_of3A_151, %dma_start3A_154] : memref<819200x128xf32, #tpu.memory_space<hbm>> -> memref<128x128xf32, #tpu.memory_space<hbm>>
      tpu.enqueue_dma source(%arg11 : memref<128x128xf32, #tpu.memory_space<vmem>>) target(%dma_start3A_155 : memref<128x128xf32, #tpu.memory_space<hbm>>) target_semaphore(%arg19 : memref<!tpu.dma_semaphore, #tpu.memory_space<semaphore_mem>>)
      %add3A_156 = arith.constant 3 : i32
      %add3A_157 = arith.addi %add3A_140, %add3A_156 : i32
      %lt3A_158 = arith.constant 200 : i32
      %lt3A_159 = arith.cmpi slt, %add3A_157, %lt3A_158 : i32
      %convert_element_type3A_160 = arith.extui %lt3A_159 : i1 to i32
      %cond3A_161 = arith.constant 0 : i32
      %cond3A_162 = arith.cmpi ne, %convert_element_type3A_160, %cond3A_161 : i32
      scf.if %cond3A_162 {
        %ge3A = arith.constant 4 : i32
        %ge3A_164 = arith.cmpi sge, %add3A_157, %ge3A : i32
        %convert_element_type3A_165 = arith.extui %ge3A_164 : i1 to i32
        %cond3A_166 = arith.constant 0 : i32
        %cond3A_167 = arith.cmpi ne, %convert_element_type3A_165, %cond3A_166 : i32
        scf.if %cond3A_167 {
          %dma_wait3A_174 = arith.constant 0 : i32
          %dma_wait3A_175 = arith.constant 0 : i32
          %dma_wait3A_176 = tpu.memref_slice %arg5[%dma_wait3A_174, %dma_wait3A_175] : memref<819200x128xf32, #tpu.memory_space<hbm>> -> memref<128x128xf32, #tpu.memory_space<hbm>>
          %dma_wait3A_177 = arith.constant 0 : i32
          %dma_wait3A_178 = arith.constant 0 : i32
          %dma_wait3A_179 = tpu.memref_slice %arg5[%dma_wait3A_177, %dma_wait3A_178] : memref<819200x128xf32, #tpu.memory_space<hbm>> -> memref<128x128xf32, #tpu.memory_space<hbm>>
          tpu.wait_dma2 semaphore(%arg18 : memref<!tpu.dma_semaphore, #tpu.memory_space<semaphore_mem>>) src(%arg10 : memref<128x128xf32, #tpu.memory_space<vmem>>) dst(%dma_wait3A_179 : memref<128x128xf32, #tpu.memory_space<hbm>>)
        } else {
        }
        %dma_start3A_168 = arith.constant 0 : i32
        %dma_start3A_169 = tpu.memref_slice %arg6[%add3A_157, %dma_start3A_168] : memref<200x128xi32, #tpu.memory_space<vmem>> -> memref<1x128xi32, #tpu.memory_space<vmem>>
        %dma_start3A_170 = tpu.memref_squeeze %dma_start3A_169 : memref<1x128xi32, #tpu.memory_space<vmem>> -> memref<128xi32, #tpu.memory_space<vmem>>
        %dma_start3A_171 = arith.constant 0 : i32
        %dma_start3A_172 = arith.constant 0 : i32
        %dma_start3A_173 = tpu.memref_slice %arg2[%dma_start3A_171, %dma_start3A_172] : memref<102000x128xf32, #tpu.memory_space<hbm>> -> memref<102000x128xf32, #tpu.memory_space<hbm>>
        tpu.enqueue_indirect_dma source(%dma_start3A_173 : memref<102000x128xf32, #tpu.memory_space<hbm>>) target(%arg10 : memref<128x128xf32, #tpu.memory_space<vmem>>) offsets(%dma_start3A_170 : memref<128xi32, #tpu.memory_space<vmem>>) semaphore(%arg14 : memref<!tpu.dma_semaphore, #tpu.memory_space<semaphore_mem>>)
      } else {
      }
      %scan3A_163 = arith.constant 0 : i32
      scf.yield %scan3A_163 : i32
    }
    %scan3A_36 = arith.constant 50 : i32
    %dma_wait3A = arith.constant 0 : i32
    %dma_wait3A_37 = arith.constant 0 : i32
    %dma_wait3A_38 = tpu.memref_slice %arg5[%dma_wait3A, %dma_wait3A_37] : memref<819200x128xf32, #tpu.memory_space<hbm>> -> memref<128x128xf32, #tpu.memory_space<hbm>>
    %dma_wait3A_39 = arith.constant 0 : i32
    %dma_wait3A_40 = arith.constant 0 : i32
    %dma_wait3A_41 = tpu.memref_slice %arg5[%dma_wait3A_39, %dma_wait3A_40] : memref<819200x128xf32, #tpu.memory_space<hbm>> -> memref<128x128xf32, #tpu.memory_space<hbm>>
    tpu.wait_dma2 semaphore(%arg16 : memref<!tpu.dma_semaphore, #tpu.memory_space<semaphore_mem>>) src(%arg8 : memref<128x128xf32, #tpu.memory_space<vmem>>) dst(%dma_wait3A_41 : memref<128x128xf32, #tpu.memory_space<hbm>>)
    %dma_wait3A_42 = arith.constant 0 : i32
    %dma_wait3A_43 = arith.constant 0 : i32
    %dma_wait3A_44 = tpu.memref_slice %arg5[%dma_wait3A_42, %dma_wait3A_43] : memref<819200x128xf32, #tpu.memory_space<hbm>> -> memref<128x128xf32, #tpu.memory_space<hbm>>
    %dma_wait3A_45 = arith.constant 0 : i32
    %dma_wait3A_46 = arith.constant 0 : i32
    %dma_wait3A_47 = tpu.memref_slice %arg5[%dma_wait3A_45, %dma_wait3A_46] : memref<819200x128xf32, #tpu.memory_space<hbm>> -> memref<128x128xf32, #tpu.memory_space<hbm>>
    tpu.wait_dma2 semaphore(%arg17 : memref<!tpu.dma_semaphore, #tpu.memory_space<semaphore_mem>>) src(%arg9 : memref<128x128xf32, #tpu.memory_space<vmem>>) dst(%dma_wait3A_47 : memref<128x128xf32, #tpu.memory_space<hbm>>)
    %dma_wait3A_48 = arith.constant 0 : i32
    %dma_wait3A_49 = arith.constant 0 : i32
    %dma_wait3A_50 = tpu.memref_slice %arg5[%dma_wait3A_48, %dma_wait3A_49] : memref<819200x128xf32, #tpu.memory_space<hbm>> -> memref<128x128xf32, #tpu.memory_space<hbm>>
    %dma_wait3A_51 = arith.constant 0 : i32
    %dma_wait3A_52 = arith.constant 0 : i32
    %dma_wait3A_53 = tpu.memref_slice %arg5[%dma_wait3A_51, %dma_wait3A_52] : memref<819200x128xf32, #tpu.memory_space<hbm>> -> memref<128x128xf32, #tpu.memory_space<hbm>>
    tpu.wait_dma2 semaphore(%arg18 : memref<!tpu.dma_semaphore, #tpu.memory_space<semaphore_mem>>) src(%arg10 : memref<128x128xf32, #tpu.memory_space<vmem>>) dst(%dma_wait3A_53 : memref<128x128xf32, #tpu.memory_space<hbm>>)
    %dma_wait3A_54 = arith.constant 0 : i32
    %dma_wait3A_55 = arith.constant 0 : i32
    %dma_wait3A_56 = tpu.memref_slice %arg5[%dma_wait3A_54, %dma_wait3A_55] : memref<819200x128xf32, #tpu.memory_space<hbm>> -> memref<128x128xf32, #tpu.memory_space<hbm>>
    %dma_wait3A_57 = arith.constant 0 : i32
    %dma_wait3A_58 = arith.constant 0 : i32
    %dma_wait3A_59 = tpu.memref_slice %arg5[%dma_wait3A_57, %dma_wait3A_58] : memref<819200x128xf32, #tpu.memory_space<hbm>> -> memref<128x128xf32, #tpu.memory_space<hbm>>
    tpu.wait_dma2 semaphore(%arg19 : memref<!tpu.dma_semaphore, #tpu.memory_space<semaphore_mem>>) src(%arg11 : memref<128x128xf32, #tpu.memory_space<vmem>>) dst(%dma_wait3A_59 : memref<128x128xf32, #tpu.memory_space<hbm>>)
    return
  }
}

module attributes {stable_mosaic.version = 14 : i64} {
  func.func @_tc_norm_body(%arg0: i32, %arg1: memref<1000x128xf32, #tpu.memory_space<vmem>>, %arg2: memref<1x128xf32, #tpu.memory_space<vmem>>, %arg3: memref<1x128xf32, #tpu.memory_space<vmem>>, %arg4: memref<1000x128xf32, #tpu.memory_space<vmem>>) attributes {dimension_semantics = [#tpu.dimension_semantics<arbitrary>], iteration_bounds = array<i64: 102>, scalar_prefetch = 0 : i64, scratch_operands = 0 : i64, tpu.core_type = #tpu.core_type<tc>, window_params = [{transform_indices = @transform_0, window_bounds = array<i64: 1000, 128>}, {pipeline_mode = #tpu.pipeline_mode<synchronous>, transform_indices = @transform_1, window_bounds = array<i64: 1, 128>}, {pipeline_mode = #tpu.pipeline_mode<synchronous>, transform_indices = @transform_2, window_bounds = array<i64: 1, 128>}, {transform_indices = @transform_3, window_bounds = array<i64: 1000, 128>}]} {
    %get3A = arith.constant 0 : index
    %get3A_0 = arith.constant 0 : index
    %get3A_1 = vector.load %arg1[%get3A, %get3A_0] : memref<1000x128xf32, #tpu.memory_space<vmem>>, vector<1000x128xf32>
    %reduce_sum3A = arith.constant dense<0.000000e+00> : vector<1000xf32>
    %reduce_sum3A_2 = vector.multi_reduction <add>, %get3A_1, %reduce_sum3A [1] : vector<1000x128xf32> to vector<1000xf32>
    %broadcast_in_dim3A = vector.shape_cast %reduce_sum3A_2 : vector<1000xf32> to vector<1000x1xf32>
    %div3A = arith.constant 1.280000e+02 : f32
    %div3A_3 = vector.broadcast %div3A : f32 to vector<1000x1xf32>
    %div3A_4 = arith.divf %broadcast_in_dim3A, %div3A_3 : vector<1000x1xf32>
    %sub3A = vector.broadcast %div3A_4 : vector<1000x1xf32> to vector<1000x128xf32>
    %sub3A_5 = arith.subf %get3A_1, %sub3A : vector<1000x128xf32>
    %mul3A = arith.mulf %sub3A_5, %sub3A_5 : vector<1000x128xf32>
    %reduce_sum3A_6 = arith.constant dense<0.000000e+00> : vector<1000xf32>
    %reduce_sum3A_7 = vector.multi_reduction <add>, %mul3A, %reduce_sum3A_6 [1] : vector<1000x128xf32> to vector<1000xf32>
    %broadcast_in_dim3A_8 = vector.shape_cast %reduce_sum3A_7 : vector<1000xf32> to vector<1000x1xf32>
    %div3A_9 = arith.constant 1.280000e+02 : f32
    %div3A_10 = vector.broadcast %div3A_9 : f32 to vector<1000x1xf32>
    %div3A_11 = arith.divf %broadcast_in_dim3A_8, %div3A_10 : vector<1000x1xf32>
    %add3A = arith.constant 9.99999974E-6 : f32
    %add3A_12 = vector.broadcast %add3A : f32 to vector<1000x1xf32>
    %add3A_13 = arith.addf %div3A_11, %add3A_12 : vector<1000x1xf32>
    %rsqrt3A = math.rsqrt %add3A_13 : vector<1000x1xf32>
    %mul3A_14 = vector.broadcast %rsqrt3A : vector<1000x1xf32> to vector<1000x128xf32>
    %mul3A_15 = arith.mulf %sub3A_5, %mul3A_14 : vector<1000x128xf32>
    %get3A_16 = arith.constant 0 : index
    %get3A_17 = arith.constant 0 : index
    %get3A_18 = vector.load %arg2[%get3A_16, %get3A_17] : memref<1x128xf32, #tpu.memory_space<vmem>>, vector<1x128xf32>
    %mul3A_19 = vector.broadcast %get3A_18 : vector<1x128xf32> to vector<1000x128xf32>
    %mul3A_20 = arith.mulf %mul3A_15, %mul3A_19 : vector<1000x128xf32>
    %get3A_21 = arith.constant 0 : index
    %get3A_22 = arith.constant 0 : index
    %get3A_23 = vector.load %arg3[%get3A_21, %get3A_22] : memref<1x128xf32, #tpu.memory_space<vmem>>, vector<1x128xf32>
    %add3A_24 = vector.broadcast %get3A_23 : vector<1x128xf32> to vector<1000x128xf32>
    %add3A_25 = arith.addf %mul3A_20, %add3A_24 : vector<1000x128xf32>
    %ge3A = arith.constant 100 : i32
    %ge3A_26 = arith.cmpi sge, %arg0, %ge3A : i32
    %jit3A = arith.constant 0.000000e+00 : f32
    %broadcast_in_dim3A_27 = vector.broadcast %jit3A : f32 to vector<1000x128xf32>
    %select_n3A = arith.select %ge3A_26, %broadcast_in_dim3A_27, %add3A_25 : vector<1000x128xf32>
    %swap3A = arith.constant 0 : index
    %swap3A_28 = arith.constant 0 : index
    %swap3A_29 = vector.load %arg4[%swap3A, %swap3A_28] : memref<1000x128xf32, #tpu.memory_space<vmem>>, vector<1000x128xf32>
    tpu.vector_store %arg4[%swap3A, %swap3A_28], %select_n3A {strides = array<i32>} : memref<1000x128xf32, #tpu.memory_space<vmem>>, vector<1000x128xf32>,
    return
  }
  func.func @transform_0(%arg0: i32) -> (i32, i32) {
    %min3A = arith.constant 99 : i32
    %min3A_0 = arith.minsi %arg0, %min3A : i32
    %c0_i32 = arith.constant 0 : i32
    %c0_i32_1 = arith.constant 0 : i32
    return %min3A_0, %c0_i32 : i32, i32
  }
  func.func @transform_1(%arg0: i32) -> (i32, i32) {
    %c0_i32 = arith.constant 0 : i32
    %c0_i32_0 = arith.constant 0 : i32
    %c0_i32_1 = arith.constant 0 : i32
    return %c0_i32, %c0_i32_0 : i32, i32
  }
  func.func @transform_2(%arg0: i32) -> (i32, i32) {
    %c0_i32 = arith.constant 0 : i32
    %c0_i32_0 = arith.constant 0 : i32
    %c0_i32_1 = arith.constant 0 : i32
    return %c0_i32, %c0_i32_0 : i32, i32
  }
  func.func @transform_3(%arg0: i32) -> (i32, i32) {
    %c0_i32 = arith.constant 0 : i32
    %c0_i32_0 = arith.constant 0 : i32
    return %arg0, %c0_i32 : i32, i32
  }
}

</mosaic_0001>

<sc_bundles>
// kernel: _run.4.cloned.1.call-start
scs
__scs_entry_jumppad:
0x0: {  	(pc) =	sbr.rel $0x88, $3  }
0x1: {  	(tag) =	ssettag $0x0;
	lr =	simm.s32 $0x1  }
0x2: {  	[smem:$0x3F9C] =	sst lr;
	_ =	strace $0xD0000000  }
0x3: {  	_ = 	snop  }
0x4: {  	_ = 	snop  }
0x5: {  	_ = 	snop  }
0x6: {  	_ = 	snop  }
0x7: {  	_ = 	snop  }
__scs_overlays_trampoline_lowered:
0x8: {  	[smem:$0x3FAB] =	sst s0  }
0x9: {  	[smem:$0x3FAC] =	sst s1  }
0xa: {  	[smem:$0x3FAD] =	sst s2  }
0xb: {  	[smem:$0x3FAE] =	sst s3  }
0xc: {  	[smem:$0x3FAF] =	sst s4  }
0xd: {  	[smem:$0x3FB0] =	sst s5  }
0xe: {  	[smem:$0x3FB1] =	sst s6  }
0xf: {  	[smem:$0x3FB2] =	sst s7  }
0x10: {  	[smem:$0x3FB3] =	sst s8  }
0x11: {  	[smem:$0x3FB4] =	sst s9;
	s0 =	simm.s32 @!p0 $0x0  }
0x12: {  	s1 =	sld [smem:$0x3F9A];
	s0 =	simm.s32 @p0 $0x1  }
0x13: {  	[smem:$0x3FB5] =	sst s0;
	s0 =	simm.s32 @!p1 $0x0  }
0x14: {  	s2 =	sld [smem:$0x3F99];
	s0 =	simm.s32 @p1 $0x1  }
0x15: {  	[smem:$0x3FB6] =	sst s0;
	s0 =	simm.s32 @!p2 $0x0  }
0x16: {  	s3 =	sld [smem:$0x3FDB];
	s0 =	simm.s32 @p2 $0x1  }
0x17: {  	s4 =	simm.s32 $0x1BF5;
	[smem:$0x3FB8] =	sst s0  }
0x18: {  	s0 =	sld [smem:$0x3F9B];
	_ =	swait.ge [sflag:s4], $0x0  }
0x19: {  	s7 =	sld [smem:$0x3F9C]  }
0x1a: {  	s8 =	sadd.s32 $0xFFFFE003, lr  }
0x1b: {  	s9 =	sadd.s32 $0xFFFFFEF7, lr;
	s5 =	simm.s32 $0xFFFFFFFF;
	p2 =	slt.u32 s8, $0xFFFFF086  }
0x1c: {  	p1 =	slt.u32 s9, $0xF7A;
	s5 =	simm.s32 @!p2 $0x0  }
0x1d: {  	s5 =	simm.s32 @p1 $0x1;
	p0 =	seq.s32 s7, s2  }
0x1e: {  	s7 =	smul.u32 @!p0 $0xF7A, s2;
	p2 =	seq.s32 @!p0 s5, $0x0  }
0x1f: {  	s9 =	smul.u32 $0xF7A, s1;
	s8 =	simm.s32 @!p0 $0x1BF5;
	p2 =	por !p2, p0  }
0x20: {  	[sflag:s8] =	ssyncset.s32 @!p0 $0xFFFFF086;
	s6 =	sadd.s32 @!p0 s3, s7;
	s7 =	simm.s32 @!p0 $0x108  }
0x21: {  	s3 =	sadd.s32 s3, s9;
	s6 =	sadd.s32 @!p0 $0x88, s6;
	s7 =	simm.s32 @p2 $0x1082  }
0x22: {  	[simem:s7], [sflag:s8] =	dma.local @!p0 [hbm:s6], $0xF7A  }
0x23: {  	s9 =	sor.u32 $0xD0000000, s2;
	s6 =	simm.s32 $0x108;
	_ =	swait.ge @!p0 [sflag:s8], $0x0  }
0x24: {  	s3 =	sadd.s32 $0x88, s3;
	s6 =	simm.s32 @!p1 $0x1082;
	[sflag:s4] =	ssyncset.s32 $0xFFFFF086  }
0x25: {  	[simem:s6], [sflag:s4] =	dma.local [hbm:s3], $0xF7A  }
0x26: {  	[smem:$0x3F9C] =	sst s1;
	(tag) =	ssettag s2;
	_ =	strace s9  }
0x27: {  	s1 =	sld [smem:$0x3FAC]  }
0x28: {  	s2 =	sld [smem:$0x3FAD]  }
0x29: {  	s4 =	sld [smem:$0x3FAF]  }
0x2a: {  	p0 =	seq.s32 s5, $0x0;
	s5 =	sld [smem:$0x3FB0]  }
0x2b: {  	s6 =	sld [smem:$0x3FB1]  }
0x2c: {  	s7 =	sld [smem:$0x3FB2]  }
0x2d: {  	s3 =	simm.s32 $0x108;
	s8 =	sld [smem:$0x3FB3]  }
0x2e: {  	s3 =	simm.s32 @!p0 $0x1082;
	s9 =	sld [smem:$0x3FB4]  }
0x2f: {  	lr =	sadd.s32 s0, s3;
	s0 =	sld [smem:$0x3FAB]  }
0x30: {  	s3 =	sld [smem:$0x3FAE]  }
0x31: {  	[smem:$0x3FB7] =	sst s10  }
0x32: {  	s10 =	sld [smem:$0x3FB5];
	_ =	sdelay $0x3  }
0x33: {  	p0 =	seq.s32 s10, $0x1;
	s10 =	sld [smem:$0x3FB7];
	_ =	sdelay $0x3  }
0x34: {  	[smem:$0x3FB7] =	sst s10  }
0x35: {  	s10 =	sld [smem:$0x3FB6];
	_ =	sdelay $0x3  }
0x36: {  	p1 =	seq.s32 s10, $0x1;
	s10 =	sld [smem:$0x3FB7];
	_ =	sdelay $0x3  }
0x37: {  	[smem:$0x3FB7] =	sst s10  }
0x38: {  	s10 =	sld [smem:$0x3FB8]  }
0x39: {  	_ = 	snop;
	(pc) =	sbr.ind lr, $3  }
0x3a: {  	_ = 	snop  }
0x3b: {  	_ = 	snop  }
0x3c: {  	p2 =	seq.s32 s10, $0x1;
	s10 =	sld [smem:$0x3FB7]  }
0x3d: {  	_ =	shalt  }
0x3e: {  	_ =	shalt  }
0x3f: {  	_ =	shalt  }
0x40: {  	_ =	shalt  }
0x41: {  	_ =	shalt  }
0x42: {  	_ =	shalt  }
0x43: {  	_ =	shalt  }
0x44: {  	_ =	shalt  }
0x45: {  	_ =	shalt  }
0x46: {  	_ =	shalt  }
0x47: {  	_ =	shalt  }
0x48: {  	_ =	shalt  }
0x49: {  	_ =	shalt  }
0x4a: {  	_ =	shalt  }
0x4b: {  	_ =	shalt  }
0x4c: {  	_ =	shalt  }
0x4d: {  	_ =	shalt  }
0x4e: {  	_ =	shalt  }
0x4f: {  	_ =	shalt  }
0x50: {  	_ =	shalt  }
0x51: {  	_ =	shalt  }
0x52: {  	_ =	shalt  }
0x53: {  	_ =	shalt  }
0x54: {  	_ =	shalt  }
0x55: {  	_ =	shalt  }
0x56: {  	_ =	shalt  }
0x57: {  	_ =	shalt  }
0x58: {  	_ =	shalt  }
0x59: {  	_ =	shalt  }
0x5a: {  	_ =	shalt  }
0x5b: {  	_ =	shalt  }
0x5c: {  	_ =	shalt  }
0x5d: {  	_ =	shalt  }
0x5e: {  	_ =	shalt  }
0x5f: {  	_ =	shalt  }
0x60: {  	_ =	shalt  }
0x61: {  	_ =	shalt  }
0x62: {  	_ =	shalt  }
0x63: {  	_ =	shalt  }
0x64: {  	_ =	shalt  }
0x65: {  	_ =	shalt  }
0x66: {  	_ =	shalt  }
0x67: {  	_ =	shalt  }
0x68: {  	_ =	shalt  }
0x69: {  	_ =	shalt  }
0x6a: {  	_ =	shalt  }
0x6b: {  	_ =	shalt  }
0x6c: {  	_ =	shalt  }
0x6d: {  	_ =	shalt  }
0x6e: {  	_ =	shalt  }
0x6f: {  	_ =	shalt  }
0x70: {  	_ =	shalt  }
0x71: {  	_ =	shalt  }
0x72: {  	_ =	shalt  }
0x73: {  	_ =	shalt  }
0x74: {  	_ =	shalt  }
0x75: {  	_ =	shalt  }
0x76: {  	_ =	shalt  }
0x77: {  	_ =	shalt  }
0x78: {  	_ =	shalt  }
0x79: {  	_ =	shalt  }
0x7a: {  	_ =	shalt  }
0x7b: {  	_ =	shalt  }
0x7c: {  	_ =	shalt  }
0x7d: {  	_ =	shalt  }
0x7e: {  	_ =	shalt  }
0x7f: {  	_ =	shalt  }
0x80: {  	_ =	shalt  }
0x81: {  	_ =	shalt  }
0x82: {  	_ =	shalt  }
0x83: {  	_ =	shalt  }
0x84: {  	_ =	shalt  }
0x85: {  	_ =	shalt  }
0x86: {  	_ =	shalt  }
0x87: {  	_ =	shalt  }
.Lfunc_end0:
.L_simem_size_0:
called_computation_lowered:
.L_overlay_start_0:
0x88: {  	s2 =	sld [smem:$0x3FD9]  }
0x89: {  	s3 =	sld [smem:$0x3FFE];
	_ =	sdelay $0x1  }
0x8a: {  	s1 =	srdreg.scid  }
0x8b: {  	s0 =	sand.u32 $0x1, s1  }
0x8c: {  	s17 =	sshll.u32 s0, $0xA;
	s2 =	sadd.s32 s3, s2  }
0x8d: {  	s2 =	sadd.s32 s2, s17  }
0x8e: {  	[smem:$0x3FC3] =	sst s2  }
0x8f: {  	_ = 	snop  }
0x90: {  	s2 =	sld [smem:$0x3FC6]  }
0x91: {  	s18 =	sld [smem:$0x3FC5]  }
0x92: {  	s4 =	sld [smem:$0x3FD0];
	(tm) =	ssettm $0x1  }
0x93: {  	s5 =	sld [smem:$0x3FFB];
	_ =	sdelay $0x3  }
0x94: {  	_ =	strace s5  }
0x95: {  	s5 =	sld [smem:$0x3FFC];
	_ =	sdelay $0x3  }
0x96: {  	_ =	strace s5  }
0x97: {  	s5 =	sld [smem:$0x3FFD];
	_ =	sdelay $0x3  }
0x98: {  	_ =	strace s5  }
0x99: {  	_ =	strace $0x8FFFFFFF  }
0x9a: {  	s19 =	sld [smem:$0x3FDB];
	_ =	sdelay $0x1  }
0x9b: {  	s6 =	simm.s32 $_scs_section_size  }
0x9c: {  	s7 =	simm.s32 $_size__tile_overlayer_lowered;
	s8 =	simm.s32 $_tile_overlayer_lowered  }
0x9d: {  	s22 =	simm.s32 $0x1BFF;
	s21 =	sshll.u32 s8, $0x1;
	s5 =	sadd.s32 s6, s19  }
0x9e: {  	s9 =	simm.s32 $0x0;
	s20 =	sshll.u32 s7, $0x1;
	s7 =	sadd.s32 s21, s5  }
0x9f: {  	[timem:s9], [sflag:s22] =	dma.local [hbm:s7], s20  }
0xa0: {  	_ =	swait.ge [sflag:s22], s20  }
0xa1: {  	s6 =	ssub.s32 $0x0, s20;
	[sflag:s22] =	ssyncset.done $0x0  }
0xa2: {  	[sflag:s22] =	ssyncadd.s32 s6;
	_ =	sdelay $0x1  }
0xa3: {  	s23 =	simm.s32 $0x1B8B  }
0xa4: {  	_ =	swait.ge [sflag:s23], $0x1  }
0xa5: {  	[sflag:s23] =	ssyncset.done $0x0  }
0xa6: {  	s25 =	simm.s32 $0x1B8E;
	s24 =	sld [smem:$0x3FFE];
	[sflag:s23] =	ssyncadd.s32 $0xFFFFFFFF  }
0xa7: {  	s26 =	simm.s32 $execute0_lowered;
	[smem:$0x3FD2] =	sst s25  }
0xa8: {  	s7 =	sshll.u32 s26, $0x1;
	_ =	strace $0x80000046;
	[dreg:$0x1] =	wrdreg $0xFFFFFFFF  }
0xa9: {  	s28 =	simm.s32 $_size_execute0_lowered;
	s5 =	sadd.s32 s5, s7;
	[dreg:$0x0] =	wrdreg $0x0  }
0xaa: {  	s7 =	sshll.u32 s28, $0x1;
	[dreg:$0x2] =	wrdreg s5  }
0xab: {  	[dreg:$0x3] =	wrdreg s7  }
0xac: {  	[dreg:$0x4] =	wrdreg $0xC0  }
0xad: {  	_ =	task [dreg:s9], $0x5FFFF  }
0xae: {  	[dreg:$0x1] =	wrdreg $0xFFFFFFFF  }
0xaf: {  	[dreg:$0x0] =	wrdreg $0x60  }
0xb0: {  	[dreg:$0x2] =	wrdreg s24  }
0xb1: {  	[dreg:$0x3] =	wrdreg s2  }
0xb2: {  	[dreg:$0x4] =	wrdreg s18  }
0xb3: {  	[dreg:$0x5] =	wrdreg s4  }
0xb4: {  	[dreg:$0x6] =	wrdreg $0x9  }
0xb5: {  	_ =	task.clear_ibuf [dreg:s9], $0x7FFFF;
	_ =	strace $0x90000046  }
0xb6: {  	s29 =	simm.s32 $0x9;
	_ =	strace $0x80000048  }
0xb7: {  	_ =	swait.ge [sflag:s29], $0x1  }
0xb8: {  	[sflag:s29] =	ssyncadd.s32 $0xFFFFFFFF  }
0xb9: {  	_ =	strace $0x90000048  }
0xba: {  	_ =	sfence  }
0xbb: {  	s30 =	sld [smem:$0x0];
	_ =	sdelay $0x2  }
0xbc: {  	s31 =	sshll.u32 s1, $0xD;
	s1 =	sshrl.u32 s1, $0x2  }
0xbd: {  	s3 =	sand.u32 $0x4000, s31;
	s1 =	sadd.s32 s1, s30  }
0xbe: {  	s0 =	sor.u32 s3, s0;
	s1 =	sshll.u32 s1, $0x11  }
0xbf: {  	s0 =	sor.u32 s1, s0  }
0xc0: {  	s0 =	sadd.s32 $0x8F2B, s0  }
0xc1: {  	[sflag:s0] =	ssyncadd.remote.s32 $0x1  }
0xc2: {  	_ =	sfence.sel $0xFFFF  }
0xc3: {  	[dreg:$0x0] =	wrdreg $0xFFFFFFFF;
	(pc) =	sbr.abs _section_cstart, $3  }
0xc4: {  	[dreg:$0x1] =	wrdreg $0xFFFFFFFF  }
0xc5: {  	_ =	task.clear_ibuf [dreg:s9], $0x2FFFF;
	_ =	strace $0x9FFFFFFF  }
0xc6: {  	(tm) =	ssettm $0x7FFFFFFF  }
0xc7: {  	_ =	shalt  }
tec
execute0_lowered:
.L_overlay_start_1:
0x0: {  	(tag) =	ssettag $0x1  }
0x1: {  	s0 =	rddreg [dreg:$0x0]  }
0x2: {  	s1 =	rddreg [dreg:$0x1]  }
0x3: {  	s4 =	rddreg [dreg:$0x2];
	s2 =	srdreg.scid  }
0x4: {  	s11 =	stileid.u32;
	s5 =	rddreg [dreg:$0x3]  }
0x5: {  	s13 =	simm.s32 $0x80;
	s14 =	simm.s32 $0xC800;
	s15 =	simm.s32 $0x10800  }
0x6: {  	s17 =	simm.s32 $0x14800;
	s18 =	simm.s32 $0x1;
	s19 =	simm.s32 $0x18800  }
0x7: {  	s20 =	simm.s32 $0x2;
	s21 =	simm.s32 $0x4;
	s23 =	smul.u32 $0x640000, s11  }
0x8: {  	s6 =	sand.u32 $0x1, s2;
	s3 =	sshll.u32 s11, $0x1;
	s28 =	smul.u32 $0xC8000, s11  }
0x9: {  	s2 =	simm.s32 $0x0;
	s11 =	simm.s32 $0x9;
	s25 =	smul.u32 $0x320000, s6  }
0xa: {  	s3 =	sor.u32 s6, s3;
	[smem:$0x7FF] =	sst s2;
	s30 =	smul.u32 $0x64000, s6  }
0xb: {  	s7 =	ssub.s32 $0x2, s6;
	s8 =	smul.u32 $0xC80, s3;
	_ =	strace $0x80000047  }
0xc: {  	s9 =	sshrl.u32 s7, $0x1;
	s10 =	smul.u32 $0x64000, s3;
	s3 =	sadd.s32 $0x800, s0  }
0xd: {  	s22 =	ssub.s32 s7, s9;
	s29 =	sadd.s32 s25, s23;
	s1 =	sadd.s32 s1, s8  }
0xe: {  	s24 =	sadd.s32 s4, s8;
	s0 =	smax.u32 s22, $0x1;
	[dreg:$0x5] =	wrdreg s1  }
0xf: {  	s26 =	sadd.s32 s5, s10;
	s31 =	sshrl.u32 s29, $0x3;
	[dreg:$0x6] =	wrdreg s24  }
.Ltmp0:
0x10: {  	s4 =	sadd.s32 s28, s5;
	[dreg:$0x7] =	wrdreg s0;
	(pc) =	sbr.rel .LBB2_1-.Ltmp0, $4  }
0x11: {  	s0 =	sor.u32 $0xC000, s29;
	s6 =	sadd.s32 s31, s5;
	s1 =	sadd.s32 s30, s4  }
0x12: {  	[dreg:$0x8] =	wrdreg s6;
	s0 =	sshrl.u32 s0, $0x3;
	s1 =	sadd.s32 $0x1000, s1  }
0x13: {  	v0 =	vlaneseq.u32;
	s7 =	sadd.s32 $0x63000, s26;
	[dreg:$0x9] =	wrdreg s1;
	s0 =	sadd.s32 s0, s5  }
0x14: {  	v0 =	vor.u32 $0x186A0, v0;
	s24 =	simm.s32 $0x7;
	s26 =	simm.s32 $0x0;
	[dreg:$0xa] =	wrdreg s0  }
.LBB2_6:
0x15: {  	s0 =	simm.s32 $0x5  }
0x16: {  	_ =	swait.ge [sflag:s0], $0x4000  }
0x17: {  	[sflag:s0] =	ssyncset.done $0x0  }
0x18: {  	s30 =	simm.s32 $0x6;
	[sflag:s0] =	ssyncadd.s32 $0xFFFFC000  }
0x19: {  	_ =	swait.ge [sflag:s30], $0x4000  }
0x1a: {  	[sflag:s30] =	ssyncset.done $0x0  }
0x1b: {  	[sflag:s30] =	ssyncadd.s32 $0xFFFFC000  }
0x1c: {  	_ =	swait.ge [sflag:s24], $0x4000  }
0x1d: {  	[sflag:s24] =	ssyncset.done $0x0  }
0x1e: {  	s1 =	simm.s32 $0x8;
	[sflag:s24] =	ssyncadd.s32 $0xFFFFC000  }
0x1f: {  	_ =	swait.ge [sflag:s1], $0x4000  }
0x20: {  	s26 =	sadd.s32 $0x1, s26;
	s31 =	rddreg [dreg:$0x7]  }
0x21: {  	p0 =	sne.s32 s26, s31  }
.Ltmp1:
0x22: {  	_ = 	snop;
	(pc) =	sbr.rel @!p0 .LBB2_7-.Ltmp1, $3  }
0x23: {  	_ =	sdelay $0x1  }
0x24: {  	[sflag:s1] =	ssyncset.done $0x0  }
0x25: {  	[sflag:s1] =	ssyncadd.s32 $0xFFFFC000  }
.LBB2_1:
0x26: {  	s0 =	rddreg [dreg:$0x5]  }
0x27: {  	[tilespmem:s2], [sflag:$0x9] =	stream.linear.gather [hbm4b:s0+s2], $0x6400, $0x38;
	[tilespmem:$0x1C800] =	vst v63  }
0x28: {  	_ =	swait.ge [sflag:s11], $0x6400  }
0x29: {  	[sflag:s11] =	ssyncset.done $0x0  }
0x2a: {  	s1 =	simm.s32 $0x6400;
	s8 =	rddreg [dreg:$0x6];
	[sflag:s11] =	ssyncadd.s32 $0xFFFF9C00  }
0x2b: {  	[tilespmem:s1], [sflag:$0x9] =	stream.linear.gather [hbm4b:s8+s2], $0x6400, $0x38;
	[tilespmem:$0x1C800] =	vst v63  }
0x2c: {  	_ =	swait.ge [sflag:s11], $0x6400  }
0x2d: {  	[sflag:s11] =	ssyncset.done $0x0  }
0x2e: {  	s28 =	simm.s32 $0x40;
	[sflag:s11] =	ssyncadd.s32 $0xFFFF9C00  }
0x2f: {  	s10 =	simm.s32 $0x6440;
	v1 =	vld [tilespmem:s28+$0xFFFFFFC0]  }
0x30: {  	v2 =	vld [tilespmem:s10+$0xFFFFFFC0];
	_ =	sdelay $0x1  }
0x31: {  	s30 =	sand.u32 $0x380, s2  }
0x32: {  	v3 =	vadd.s32 s30, v0  }
0x33: {  	v1 =	vsub.s32 v1, v3  }
0x34: {  	v1 =	vmul.u32 v2, v1;
	_ =	sdelay $0x1  }
0x35: {  	v1 =	vadd.s32 v3, v1  }
0x36: {  	[tilespmem:s28+$0xFFFFFFC0] =	vst v1;
	v1 =	vld [tilespmem:s28+$0xFFFFFFD0]  }
0x37: {  	v2 =	vld [tilespmem:s10+$0xFFFFFFD0];
	_ =	sdelay $0x1  }
0x38: {  	s9 =	sor.u32 $0x10, s30  }
0x39: {  	v3 =	vadd.s32 s9, v0  }
0x3a: {  	v1 =	vsub.s32 v1, v3  }
0x3b: {  	s29 =	simm.s32 $0xC0;
	v1 =	vmul.u32 v2, v1  }
0x3c: {  	s0 =	simm.s32 $0x64C0;
	v2 =	vld [tilespmem:s29+$0xFFFFFFC0]  }
0x3d: {  	v4 =	vld [tilespmem:s0+$0xFFFFFFC0];
	v1 =	vadd.s32 v3, v1  }
0x3e: {  	s12 =	simm.s32 $0x80;
	[tilespmem:s28+$0xFFFFFFD0] =	vst v1;
	v1 =	vld [tilespmem:s28+$0xFFFFFFE0]  }
0x3f: {  	s1 =	sand.u32 $0x380, s12;
	v3 =	vld [tilespmem:s10+$0xFFFFFFE0]  }
0x40: {  	v5 =	vadd.s32 s1, v0  }
0x41: {  	s4 =	sor.u32 $0x20, s30;
	v2 =	vsub.s32 v2, v5  }
0x42: {  	v2 =	vmul.u32 v4, v2;
	v4 =	vadd.s32 s4, v0  }
0x43: {  	v1 =	vsub.s32 v1, v4  }
0x44: {  	v2 =	vadd.s32 v5, v2;
	v1 =	vmul.u32 v3, v1  }
0x45: {  	[tilespmem:s29+$0xFFFFFFC0] =	vst v2;
	v2 =	vld [tilespmem:s29+$0xFFFFFFD0]  }
0x46: {  	v3 =	vld [tilespmem:s0+$0xFFFFFFD0];
	v1 =	vadd.s32 v4, v1  }
0x47: {  	[tilespmem:s28+$0xFFFFFFE0] =	vst v1;
	v1 =	vld [tilespmem:s28+$0xFFFFFFF0]  }
0x48: {  	s16 =	sor.u32 $0x10, s1;
	v4 =	vld [tilespmem:s10+$0xFFFFFFF0]  }
0x49: {  	v5 =	vadd.s32 s16, v0  }
0x4a: {  	s22 =	sor.u32 $0x30, s30;
	v2 =	vsub.s32 v2, v5  }
0x4b: {  	s31 =	simm.s32 $0x140;
	v2 =	vmul.u32 v3, v2;
	v3 =	vadd.s32 s22, v0  }
0x4c: {  	v6 =	vld [tilespmem:s31+$0xFFFFFFC0];
	s4 =	simm.s32 $0x6540;
	v1 =	vsub.s32 v1, v3  }
0x4d: {  	v2 =	vadd.s32 v5, v2;
	v5 =	vld [tilespmem:s4+$0xFFFFFFC0];
	v1 =	vmul.u32 v4, v1  }
0x4e: {  	s5 =	simm.s32 $0x100;
	[tilespmem:s29+$0xFFFFFFD0] =	vst v2;
	v2 =	vld [tilespmem:s29+$0xFFFFFFE0]  }
0x4f: {  	s12 =	sand.u32 $0x380, s5;
	v4 =	vld [tilespmem:s0+$0xFFFFFFE0];
	v1 =	vadd.s32 v3, v1  }
0x50: {  	v3 =	vadd.s32 s12, v0;
	[tilespmem:s28+$0xFFFFFFF0] =	vst v1;
	v1 =	vld [tilespmem:s28+$0x0]  }
0x51: {  	s23 =	sor.u32 $0x20, s1;
	v6 =	vsub.s32 v6, v3;
	v7 =	vld [tilespmem:s10+$0x0]  }
0x52: {  	v5 =	vmul.u32 v5, v6;
	v6 =	vadd.s32 s23, v0  }
0x53: {  	s25 =	sor.u32 $0x40, s30;
	v2 =	vsub.s32 v2, v6  }
0x54: {  	v3 =	vadd.s32 v3, v5;
	v2 =	vmul.u32 v4, v2;
	v4 =	vadd.s32 s25, v0  }
0x55: {  	[tilespmem:s31+$0xFFFFFFC0] =	vst v3;
	v3 =	vld [tilespmem:s31+$0xFFFFFFD0];
	v1 =	vsub.s32 v1, v4  }
0x56: {  	v2 =	vadd.s32 v6, v2;
	v5 =	vld [tilespmem:s4+$0xFFFFFFD0];
	v1 =	vmul.u32 v7, v1  }
0x57: {  	[tilespmem:s29+$0xFFFFFFE0] =	vst v2;
	v2 =	vld [tilespmem:s29+$0xFFFFFFF0]  }
0x58: {  	s6 =	sor.u32 $0x10, s12;
	v6 =	vld [tilespmem:s0+$0xFFFFFFF0];
	v1 =	vadd.s32 v4, v1  }
0x59: {  	v4 =	vadd.s32 s6, v0;
	[tilespmem:s28+$0x0] =	vst v1;
	v1 =	vld [tilespmem:s28+$0x10]  }
0x5a: {  	s8 =	sor.u32 $0x30, s1;
	v3 =	vsub.s32 v3, v4;
	v7 =	vld [tilespmem:s10+$0x10]  }
0x5b: {  	s16 =	simm.s32 $0x1C0;
	v3 =	vmul.u32 v5, v3;
	v5 =	vadd.s32 s8, v0  }
0x5c: {  	s5 =	simm.s32 $0x65C0;
	v8 =	vld [tilespmem:s16+$0xFFFFFFC0];
	s6 =	sor.u32 $0x50, s30;
	v2 =	vsub.s32 v2, v5  }
0x5d: {  	v3 =	vadd.s32 v4, v3;
	v2 =	vmul.u32 v6, v2;
	v4 =	vld [tilespmem:s5+$0xFFFFFFC0];
	v6 =	vadd.s32 s6, v0  }
0x5e: {  	s9 =	simm.s32 $0x180;
	[tilespmem:s31+$0xFFFFFFD0] =	vst v3;
	v3 =	vld [tilespmem:s31+$0xFFFFFFE0];
	v1 =	vsub.s32 v1, v6  }
0x5f: {  	s6 =	sand.u32 $0x380, s9;
	v2 =	vadd.s32 v5, v2;
	v5 =	vld [tilespmem:s4+$0xFFFFFFE0];
	v1 =	vmul.u32 v7, v1  }
0x60: {  	[tilespmem:s29+$0xFFFFFFF0] =	vst v2;
	v2 =	vadd.s32 s6, v0;
	v7 =	vld [tilespmem:s29+$0x0]  }
0x61: {  	s8 =	sor.u32 $0x20, s12;
	v8 =	vsub.s32 v8, v2;
	v9 =	vld [tilespmem:s0+$0x0];
	v1 =	vadd.s32 v6, v1  }
0x62: {  	v4 =	vmul.u32 v4, v8;
	v6 =	vadd.s32 s8, v0;
	v8 =	vld [tilespmem:s28+$0x20];
	[tilespmem:s28+$0x10] =	vst v1  }
0x63: {  	s22 =	sor.u32 $0x40, s1;
	v1 =	vsub.s32 v3, v6;
	v3 =	vld [tilespmem:s10+$0x20]  }
0x64: {  	v11 =	vld [tilespmem:s31+$0xFFFFFFF0];
	v2 =	vadd.s32 v2, v4;
	v4 =	vmul.u32 v5, v1;
	v5 =	vadd.s32 s22, v0  }
0x65: {  	s23 =	sor.u32 $0x60, s30;
	[tilespmem:s16+$0xFFFFFFC0] =	vst v2;
	v2 =	vsub.s32 v7, v5;
	v7 =	vld [tilespmem:s16+$0xFFFFFFD0]  }
0x66: {  	v4 =	vadd.s32 v6, v4;
	v2 =	vmul.u32 v9, v2;
	v9 =	vld [tilespmem:s5+$0xFFFFFFD0];
	v6 =	vadd.s32 s23, v0  }
0x67: {  	v1 =	vld [tilespmem:s28+$0x30];
	[tilespmem:s31+$0xFFFFFFE0] =	vst v4;
	v4 =	vsub.s32 v8, v6  }
0x68: {  	s25 =	sor.u32 $0x10, s6;
	v2 =	vadd.s32 v5, v2;
	v5 =	vld [tilespmem:s4+$0xFFFFFFF0];
	v10 =	vmul.u32 v3, v4  }
0x69: {  	v8 =	vadd.s32 s25, v0;
	[tilespmem:s29+$0x0] =	vst v2;
	v4 =	vld [tilespmem:s29+$0x10]  }
0x6a: {  	s9 =	sor.u32 $0x30, s12;
	s8 =	simm.s32 $0x240;
	v3 =	vld [tilespmem:s0+$0x10];
	v2 =	vadd.s32 v6, v10;
	v10 =	vsub.s32 v7, v8  }
0x6b: {  	s22 =	simm.s32 $0x200;
	v7 =	vld [tilespmem:s8+$0xFFFFFFC0];
	v6 =	vadd.s32 s9, v0;
	[tilespmem:s28+$0x20] =	vst v2;
	v10 =	vmul.u32 v9, v10  }
0x6c: {  	s23 =	simm.s32 $0x280;
	s25 =	sor.u32 $0x50, s1;
	s9 =	simm.s32 $0x6640;
	v9 =	vsub.s32 v11, v6;
	v2 =	vld [tilespmem:s10+$0x30]  }
.LBB2_2:
0x6d: {  	p0 =	sne.s32 s23, $0x6380;
	v11 =	vld [tilespmem:s9+$0xFFFFFFC0];
	v8 =	vadd.s32 v8, v10;
	v5 =	vmul.u32 v5, v9;
	v9 =	vadd.s32 s25, v0;
	s10 =	smov.u32 s0;
	s0 =	smov.u32 s4  }
0x6e: {  	s4 =	sor.u32 $0x70, s30;
	s30 =	smov.u32 s1;
	s1 =	smov.u32 s12;
	[tilespmem:s16+$0xFFFFFFD0] =	vst v8;
	v8 =	vld [tilespmem:s16+$0xFFFFFFE0];
	v4 =	vsub.s32 v4, v9  }
0x6f: {  	s12 =	smov.u32 s6;
	s6 =	sand.u32 $0x380, s22;
	s22 =	smov.u32 s23;
	v10 =	vld [tilespmem:s5+$0xFFFFFFE0];
	v5 =	vadd.s32 v6, v5;
	v3 =	vmul.u32 v3, v4;
	v4 =	vadd.s32 s4, v0  }
0x70: {  	v6 =	vadd.s32 s6, v0;
	s4 =	smov.u32 s5;
	s5 =	smov.u32 s9;
	[tilespmem:s31+$0xFFFFFFF0] =	vst v5;
	v5 =	vld [tilespmem:s31+$0x0];
	v1 =	vsub.s32 v1, v4  }
0x71: {  	s25 =	sor.u32 $0x20, s12;
	v7 =	vsub.s32 v7, v6;
	v12 =	vld [tilespmem:s0+$0x0];
	v3 =	vadd.s32 v9, v3;
	v1 =	vmul.u32 v2, v1  }
0x72: {  	v2 =	vmul.u32 v11, v7;
	v7 =	vadd.s32 s25, v0;
	[tilespmem:s29+$0x10] =	vst v3;
	v3 =	vld [tilespmem:s29+$0x20]  }
0x73: {  	s25 =	sor.u32 $0x40, s1;
	v8 =	vsub.s32 v8, v7;
	v9 =	vld [tilespmem:s10+$0x20];
	v4 =	vadd.s32 v4, v1  }
0x74: {  	v2 =	vadd.s32 v6, v2;
	v6 =	vmul.u32 v10, v8;
	v8 =	vadd.s32 s25, v0;
	v1 =	vld [tilespmem:s29+$0x30];
	[tilespmem:s28+$0x30] =	vst v4;
	s28 =	smov.u32 s29;
	s29 =	smov.u32 s31;
	s31 =	smov.u32 s16  }
0x75: {  	s25 =	sor.u32 $0x60, s30;
	s16 =	smov.u32 s8;
	[tilespmem:s8+$0xFFFFFFC0] =	vst v2;
	v2 =	vld [tilespmem:s8+$0xFFFFFFD0];
	v4 =	vsub.s32 v5, v8  }
0x76: {  	v10 =	vld [tilespmem:s9+$0xFFFFFFD0];
	v5 =	vadd.s32 v7, v6;
	v4 =	vmul.u32 v12, v4;
	v6 =	vadd.s32 s25, v0  }
0x77: {  	[tilespmem:s31+$0xFFFFFFE0] =	vst v5;
	v11 =	vld [tilespmem:s31+$0xFFFFFFF0];
	v3 =	vsub.s32 v3, v6  }
.Ltmp2:
0x78: {  	s25 =	sor.u32 $0x10, s6;
	v5 =	vld [tilespmem:s4+$0xFFFFFFF0];
	v4 =	vadd.s32 v8, v4;
	v7 =	vmul.u32 v9, v3;
	(pc) =	sbr.rel @p0 .LBB2_2-.Ltmp2, $4  }
0x79: {  	v8 =	vadd.s32 s25, v0;
	[tilespmem:s29+$0x0] =	vst v4;
	v4 =	vld [tilespmem:s29+$0x10]  }
0x7a: {  	s8 =	sadd.s32 $0x80, s8;
	s25 =	sor.u32 $0x30, s12;
	v2 =	vsub.s32 v2, v8;
	v3 =	vld [tilespmem:s0+$0x10];
	v9 =	vadd.s32 v6, v7  }
0x7b: {  	v6 =	vadd.s32 s25, v0;
	v7 =	vld [tilespmem:s8+$0xFFFFFFC0];
	v10 =	vmul.u32 v10, v2;
	[tilespmem:s28+$0x20] =	vst v9  }
0x7c: {  	s23 =	sadd.s32 $0x80, s23;
	s9 =	sadd.s32 $0x80, s9;
	s25 =	sor.u32 $0x50, s1;
	v9 =	vsub.s32 v11, v6;
	v2 =	vld [tilespmem:s10+$0x30]  }
0x7d: {  	v11 =	vld [tilespmem:s9+$0xFFFFFFC0];
	_ =	sdelay $0x1  }
0x7e: {  	s10 =	sand.u32 $0x380, s22  }
0x7f: {  	v12 =	vadd.s32 s10, v0  }
0x80: {  	v7 =	vsub.s32 v7, v12  }
0x81: {  	v7 =	vmul.u32 v11, v7;
	_ =	sdelay $0x1  }
0x82: {  	v7 =	vadd.s32 v12, v7  }
0x83: {  	v52 =	vld [tilespmem:s8+$0xFFFFFFD0];
	[tilespmem:s8+$0xFFFFFFC0] =	vst v7  }
0x84: {  	v53 =	vld [tilespmem:s9+$0xFFFFFFD0];
	_ =	sdelay $0x1  }
0x85: {  	v8 =	vadd.s32 v8, v10;
	s22 =	sor.u32 $0x10, s10  }
0x86: {  	v55 =	vld [tilespmem:s16+$0xFFFFFFE0];
	[tilespmem:s16+$0xFFFFFFD0] =	vst v8;
	v54 =	vadd.s32 s22, v0  }
0x87: {  	v56 =	vld [tilespmem:s5+$0xFFFFFFE0];
	v7 =	vsub.s32 v52, v54  }
0x88: {  	v7 =	vmul.u32 v53, v7  }
0x89: {  	s23 =	sor.u32 $0x20, s6  }
0x8a: {  	v59 =	vadd.s32 s23, v0;
	v7 =	vadd.s32 v54, v7  }
0x8b: {  	v57 =	vld [tilespmem:s8+$0xFFFFFFE0];
	v8 =	vsub.s32 v55, v59;
	[tilespmem:s8+$0xFFFFFFD0] =	vst v7  }
0x8c: {  	v8 =	vmul.u32 v56, v8;
	v58 =	vld [tilespmem:s9+$0xFFFFFFE0];
	_ =	sdelay $0x1  }
0x8d: {  	s23 =	sor.u32 $0x20, s10;
	v8 =	vadd.s32 v59, v8  }
0x8e: {  	v61 =	vld [tilespmem:s16+$0xFFFFFFF0];
	v60 =	vadd.s32 s23, v0;
	[tilespmem:s16+$0xFFFFFFE0] =	vst v8  }
0x8f: {  	v62 =	vld [tilespmem:s5+$0xFFFFFFF0];
	v7 =	vsub.s32 v57, v60  }
0x90: {  	v7 =	vmul.u32 v58, v7  }
0x91: {  	s23 =	sor.u32 $0x30, s6  }
0x92: {  	v13 =	vadd.s32 s23, v0;
	v7 =	vadd.s32 v60, v7  }
0x93: {  	v63 =	vld [tilespmem:s8+$0xFFFFFFF0];
	v8 =	vsub.s32 v61, v13;
	[tilespmem:s8+$0xFFFFFFE0] =	vst v7  }
0x94: {  	v5 =	vmul.u32 v5, v9;
	v14 =	vmul.u32 v62, v8;
	v12 =	vld [tilespmem:s9+$0xFFFFFFF0];
	_ =	sdelay $0x1  }
0x95: {  	v17 =	vld [tilespmem:s31+$0x0];
	v5 =	vadd.s32 v6, v5;
	s23 =	sor.u32 $0x30, s10;
	v6 =	vadd.s32 v13, v14  }
0x96: {  	v19 =	vld [tilespmem:s16+$0x0];
	v15 =	vadd.s32 s23, v0;
	[tilespmem:s16+$0xFFFFFFF0] =	vst v6  }
0x97: {  	[tilespmem:s31+$0xFFFFFFF0] =	vst v5;
	v16 =	vsub.s32 v63, v15;
	v20 =	vld [tilespmem:s5+$0x0]  }
0x98: {  	v18 =	vld [tilespmem:s4+$0x0];
	s23 =	sor.u32 $0x40, s12;
	v5 =	vmul.u32 v12, v16  }
0x99: {  	v21 =	vadd.s32 s23, v0;
	s23 =	sor.u32 $0x40, s6  }
0x9a: {  	v24 =	vadd.s32 s23, v0;
	v5 =	vadd.s32 v15, v5  }
0x9b: {  	v22 =	vld [tilespmem:s8+$0x0];
	v6 =	vsub.s32 v19, v24;
	[tilespmem:s8+$0xFFFFFFF0] =	vst v5  }
0x9c: {  	v6 =	vmul.u32 v20, v6;
	v7 =	vsub.s32 v17, v21;
	v23 =	vld [tilespmem:s9+$0x0]  }
0x9d: {  	v7 =	vmul.u32 v18, v7  }
0x9e: {  	v27 =	vld [tilespmem:s31+$0x10];
	v29 =	vadd.s32 s25, v0;
	s23 =	sor.u32 $0x40, s10;
	v6 =	vadd.s32 v24, v6  }
0x9f: {  	v30 =	vld [tilespmem:s16+$0x10];
	v4 =	vsub.s32 v4, v29;
	v25 =	vadd.s32 s23, v0;
	[tilespmem:s16+$0x0] =	vst v6;
	v5 =	vadd.s32 v21, v7  }
0xa0: {  	v3 =	vmul.u32 v3, v4;
	v26 =	vsub.s32 v22, v25;
	v31 =	vld [tilespmem:s5+$0x10];
	[tilespmem:s31+$0x0] =	vst v5  }
0xa1: {  	v28 =	vld [tilespmem:s4+$0x10];
	v5 =	vmul.u32 v23, v26  }
0xa2: {  	v3 =	vadd.s32 v29, v3;
	s23 =	sor.u32 $0x50, s6  }
0xa3: {  	s25 =	sor.u32 $0x50, s12;
	[tilespmem:s29+$0x10] =	vst v3;
	v36 =	vadd.s32 s23, v0;
	v5 =	vadd.s32 v25, v5  }
0xa4: {  	v33 =	vld [tilespmem:s8+$0x10];
	v32 =	vadd.s32 s25, v0;
	v3 =	vsub.s32 v30, v36;
	[tilespmem:s8+$0x0] =	vst v5  }
0xa5: {  	v3 =	vmul.u32 v31, v3;
	v7 =	vsub.s32 v27, v32;
	v34 =	vld [tilespmem:s9+$0x10]  }
0xa6: {  	v37 =	vld [tilespmem:s29+$0x20];
	v35 =	vmul.u32 v28, v7  }
0xa7: {  	v41 =	vld [tilespmem:s31+$0x20];
	s25 =	sor.u32 $0x50, s10;
	v3 =	vadd.s32 v36, v3  }
0xa8: {  	v38 =	vadd.s32 s25, v0;
	[tilespmem:s16+$0x10] =	vst v3;
	v3 =	vld [tilespmem:s16+$0x20];
	v4 =	vadd.s32 v32, v35  }
0xa9: {  	v40 =	vsub.s32 v33, v38;
	v44 =	vld [tilespmem:s5+$0x20];
	[tilespmem:s31+$0x10] =	vst v4  }
0xaa: {  	s23 =	sor.u32 $0x60, s1;
	v42 =	vld [tilespmem:s4+$0x20];
	v4 =	vmul.u32 v34, v40  }
0xab: {  	v39 =	vld [tilespmem:s0+$0x20];
	v43 =	vadd.s32 s23, v0;
	s23 =	sor.u32 $0x60, s6  }
0xac: {  	s25 =	sor.u32 $0x60, s12;
	v50 =	vadd.s32 s23, v0;
	v4 =	vadd.s32 v38, v4  }
0xad: {  	v47 =	vld [tilespmem:s8+$0x20];
	v46 =	vadd.s32 s25, v0;
	v3 =	vsub.s32 v3, v50;
	[tilespmem:s8+$0x10] =	vst v4  }
0xae: {  	v3 =	vmul.u32 v44, v3;
	v5 =	vsub.s32 v41, v46;
	v48 =	vld [tilespmem:s9+$0x20]  }
0xaf: {  	v45 =	vsub.s32 v37, v43;
	v5 =	vmul.u32 v42, v5  }
0xb0: {  	v49 =	vld [tilespmem:s29+$0x30];
	s25 =	sor.u32 $0x60, s10;
	v3 =	vadd.s32 v50, v3;
	v4 =	vmul.u32 v39, v45  }
0xb1: {  	v51 =	vld [tilespmem:s31+$0x30];
	v52 =	vadd.s32 s25, v0;
	[tilespmem:s16+$0x20] =	vst v3;
	v5 =	vadd.s32 v46, v5  }
0xb2: {  	v54 =	vsub.s32 v47, v52;
	v57 =	vld [tilespmem:s16+$0x30];
	[tilespmem:s31+$0x20] =	vst v5;
	v4 =	vadd.s32 v43, v4  }
0xb3: {  	s30 =	sor.u32 $0x70, s30;
	v3 =	vld [tilespmem:s8+$0x30];
	[tilespmem:s29+$0x20] =	vst v4;
	v5 =	vmul.u32 v48, v54  }
0xb4: {  	v56 =	vadd.s32 s30, v0;
	v53 =	vld [tilespmem:s0+$0x30]  }
0xb5: {  	v1 =	vsub.s32 v1, v56;
	v55 =	vld [tilespmem:s4+$0x30];
	v5 =	vadd.s32 v52, v5  }
0xb6: {  	s22 =	sor.u32 $0x70, s1;
	v1 =	vmul.u32 v2, v1;
	v2 =	vld [tilespmem:s5+$0x30];
	[tilespmem:s8+$0x20] =	vst v5  }
0xb7: {  	s30 =	sor.u32 $0x70, s10;
	s23 =	sor.u32 $0x70, s12;
	v58 =	vadd.s32 s22, v0;
	v59 =	vld [tilespmem:s9+$0x30]  }
0xb8: {  	s25 =	sor.u32 $0x70, s6;
	v63 =	vadd.s32 s30, v0;
	v60 =	vadd.s32 s23, v0;
	v7 =	vsub.s32 v49, v58  }
0xb9: {  	v61 =	vadd.s32 s25, v0;
	v4 =	vsub.s32 v51, v60;
	v7 =	vmul.u32 v53, v7  }
0xba: {  	v1 =	vadd.s32 v56, v1;
	v62 =	vsub.s32 v57, v61;
	v4 =	vmul.u32 v55, v4  }
0xbb: {  	[tilespmem:s28+$0x30] =	vst v1;
	v3 =	vsub.s32 v3, v63;
	v2 =	vmul.u32 v2, v62;
	v1 =	vadd.s32 v58, v7  }
0xbc: {  	[tilespmem:s29+$0x30] =	vst v1;
	v1 =	vadd.s32 v60, v4;
	v3 =	vmul.u32 v59, v3  }
0xbd: {  	[tilespmem:s31+$0x30] =	vst v1;
	v1 =	vadd.s32 v61, v2  }
0xbe: {  	[tilespmem:s16+$0x30] =	vst v1;
	v1 =	vadd.s32 v63, v3  }
0xbf: {  	s0 =	simm.s32 $0x0;
	[tilespmem:s8+$0x30] =	vst v1  }
0xc0: {  	[tilespmem:s14], [sflag:$0x1] =	stream.indirect.gather [hbm4b:s3+s13], $0x80, s0, s13, $0xb8;
	[tilespmem:$0x1C800] =	vst v63  }
0xc1: {  	s1 =	rddreg [dreg:$0xa]  }
0xc2: {  	s4 =	rddreg [dreg:$0x9]  }
0xc3: {  	[tilespmem:s15], [sflag:$0x2] =	stream.indirect.gather [hbm4b:s3+s13], $0x80, s13, s13, $0xb8;
	[tilespmem:$0x1C800] =	vst v63  }
0xc4: {  	s31 =	simm.s32 $0x100;
	s5 =	rddreg [dreg:$0x8]  }
0xc5: {  	[tilespmem:s17], [sflag:$0x3] =	stream.indirect.gather [hbm4b:s3+s13], $0x80, s31, s13, $0xb8;
	[tilespmem:$0x1C800] =	vst v63  }
.LBB2_4:
0xc6: {  	_ =	swait.ge [sflag:s18], $0x4000  }
0xc7: {  	p0 =	seq.s32 s0, $0x0;
	[sflag:s18] =	ssyncset.done $0x0  }
0xc8: {  	s8 =	simm.s32 @!p0 $0x8;
	[sflag:s18] =	ssyncadd.s32 $0xFFFFC000  }
0xc9: {  	[hbm4b:s5+s2] =	stream.linear.scatter [tilespmem:s14], [sflag:$0x5], $0x4000, $0x38;
	[tilespmem:$0x1C800] =	vst v63  }
0xca: {  	_ =	swait.ge @!p0 [sflag:s8], $0x4000  }
0xcb: {  	s6 =	sshra.s32 s0, $0x2;
	[sflag:s8] =	ssyncset.done @!p0 $0x0  }
0xcc: {  	s30 =	sadd.s32 $0x180, s6;
	[sflag:s8] =	ssyncadd.s32 @!p0 $0xFFFFC000  }
0xcd: {  	[tilespmem:s19], [sflag:$0x4] =	stream.indirect.gather [hbm4b:s3+s13], $0x80, s30, s13, $0xb8;
	[tilespmem:$0x1C800] =	vst v63  }
0xce: {  	_ =	swait.ge [sflag:s20], $0x4000  }
0xcf: {  	p0 =	seq.s32 s0, $0x18800;
	[sflag:s20] =	ssyncset.done $0x0  }
0xd0: {  	s31 =	sadd.s32 $0xFFFFF800, s4;
	s8 =	simm.s32 @p0 $0x3;
	[sflag:s20] =	ssyncadd.s32 $0xFFFFC000  }
0xd1: {  	[hbm4b:s31+s2] =	stream.linear.scatter [tilespmem:s15], [sflag:$0x6], $0x4000, $0x38;
	[tilespmem:$0x1C800] =	vst v63  }
0xd2: {  	_ =	swait.ge @p0 [sflag:s8], $0x4000  }
0xd3: {  	[sflag:s8] =	ssyncset.done @p0 $0x0  }
0xd4: {  	s9 =	simm.s32 @p0 $0x14800;
	[sflag:s8] =	ssyncadd.s32 @p0 $0xFFFFC000;
	s8 =	simm.s32 @p0 $0x0  }
0xd5: {  	[hbm4b:s7+s8] =	stream.linear.scatter @p0 [tilespmem:s9], [sflag:$0x7], $0x4000, $0x38;
	[tilespmem:$0x1C800] =	vst v63  }
0xd6: {  	s8 =	simm.s32 @!p0 $0x5  }
0xd7: {  	_ =	swait.ge @!p0 [sflag:s8], $0x4000  }
0xd8: {  	[sflag:s8] =	ssyncset.done @!p0 $0x0  }
0xd9: {  	[sflag:s8] =	ssyncadd.s32 @!p0 $0xFFFFC000;
	s8 =	sshra.s32 @!p0 s0, $0x2  }
0xda: {  	s10 =	simm.s32 @!p0 $0x80;
	s12 =	simm.s32 @!p0 $0xC800;
	s9 =	sadd.s32 @!p0 $0x200, s8  }
0xdb: {  	[tilespmem:s12], [sflag:$0x1] =	stream.indirect.gather @!p0 [hbm4b:s3+s10], $0x80, s9, s10, $0xb8;
	[tilespmem:$0x1C800] =	vst v63  }
0xdc: {  	s9 =	simm.s32 @!p0 $0x3  }
0xdd: {  	_ =	swait.ge @!p0 [sflag:s9], $0x4000  }
0xde: {  	[sflag:s9] =	ssyncset.done @!p0 $0x0  }
0xdf: {  	s12 =	simm.s32 @!p0 $0x14800;
	[sflag:s9] =	ssyncadd.s32 @!p0 $0xFFFFC000;
	s9 =	simm.s32 @!p0 $0x0  }
0xe0: {  	[hbm4b:s4+s9] =	stream.linear.scatter @!p0 [tilespmem:s12], [sflag:$0x7], $0x4000, $0x38;
	[tilespmem:$0x1C800] =	vst v63  }
0xe1: {  	s9 =	simm.s32 @!p0 $0x6  }
0xe2: {  	_ =	swait.ge @!p0 [sflag:s9], $0x4000  }
0xe3: {  	[sflag:s9] =	ssyncset.done @!p0 $0x0  }
0xe4: {  	s8 =	sadd.s32 @!p0 $0x280, s8;
	[sflag:s9] =	ssyncadd.s32 @!p0 $0xFFFFC000;
	s9 =	simm.s32 @!p0 $0x10800  }
0xe5: {  	[tilespmem:s9], [sflag:$0x2] =	stream.indirect.gather @!p0 [hbm4b:s3+s10], $0x80, s8, s10, $0xb8;
	[tilespmem:$0x1C800] =	vst v63  }
.Ltmp3:
0xe6: {  	_ = 	snop;
	(pc) =	sbr.rel @p0 .LBB2_6-.Ltmp3, $4  }
0xe7: {  	_ =	swait.ge [sflag:s21], $0x4000  }
0xe8: {  	[sflag:s21] =	ssyncset.done $0x0  }
0xe9: {  	[sflag:s21] =	ssyncadd.s32 $0xFFFFC000  }
0xea: {  	[hbm4b:s1+s2] =	stream.linear.scatter [tilespmem:s19], [sflag:$0x8], $0x4000, $0x38;
	[tilespmem:$0x1C800] =	vst v63  }
.Ltmp4:
0xeb: {  	(pc) =	sbr.rel .LBB2_4-.Ltmp4, $4  }
0xec: {  	_ =	swait.ge [sflag:s24], $0x4000;
	s6 =	sadd.s32 $0x300, s6  }
0xed: {  	s0 =	sadd.s32 $0x800, s0;
	s5 =	sadd.s32 $0x2000, s5;
	[sflag:s24] =	ssyncset.done $0x0  }
0xee: {  	s4 =	sadd.s32 $0x2000, s4;
	s1 =	sadd.s32 $0x2000, s1;
	[sflag:s24] =	ssyncadd.s32 $0xFFFFC000  }
0xef: {  	[tilespmem:s17], [sflag:$0x3] =	stream.indirect.gather [hbm4b:s3+s13], $0x80, s6, s13, $0xb8;
	[tilespmem:$0x1C800] =	vst v63  }
.LBB2_7:
0xf0: {  	_ =	sfence.sel $0x180000  }
0xf1: {  	[bflag:$0x0] =	sbarrier.arrive $0xFFFF  }
0xf2: {  	_ =	strace $0x90000047  }
0xf3: {  	s0 =	stileid.u32;
	[bflag:$0x2] =	sbarrier.arrive $0xFFFF  }
0xf4: {  	p0 =	sne.s32 s0, $0x0;
	s0 =	rddreg [dreg:$0x4]  }
0xf5: {  	s0 =	sadd.s32 @!p0 $0x100000, s0  }
0xf6: {  	[sflag:s0] =	ssyncadd.tile.s32 @!p0 $0x1;
	_ =	shalt  }
.Lfunc_end2:
_tile_overlayer_lowered:
.L_overlay_start_2:
0xf7: {  	(tag) =	ssettag $0x2  }
0xf8: {  	s0 =	rddreg [dreg:$0x0];
	s2 =	stileid.u32  }
0xf9: {  	s1 =	rddreg [dreg:$0x1];
	p0 =	sne.s32 s2, $0x0  }
0xfa: {  	s3 =	rddreg [dreg:$0x2];
	[bflag:$0x3] =	sbarrier.arrive $0xFFFF;
	s2 =	simm.s32 @!p0 $0x1C09  }
0xfb: {  	[timem:s3], [sflag:s2] =	dma.local @!p0 [hbm:s0], s1  }
0xfc: {  	s0 =	simm.s32 @!p0 $0x9  }
0xfd: {  	_ =	swait.ge @!p0 [sflag:s0], s1  }
0xfe: {  	s1 =	ssub.s32 @!p0 $0x0, s1;
	[sflag:s0] =	ssyncset.done @!p0 $0x0  }
0xff: {  	[sflag:s0] =	ssyncadd.s32 @!p0 s1  }
0x100: {  	[bflag:$0x3] =	sbarrier.arrive $0xFFFF  }
0x101: {  	_ =	shalt  }

</sc_bundles>
